<compile_context>
chip_gen: v7x
topology: tpu7x:2x2x1
jax: 0.10.2.dev20260603
libtpu: 0.0.44.dev20260713+nightly
codegen_flags: <defaults>
</compile_context>

<pallas_src>
import functools
import math

import jax
import jax.numpy as jnp
import numpy as np
from jax import lax
from jax.experimental import pallas as pl
from jax.experimental.pallas import tpu as pltpu
from jax.experimental.pallas import tpu_sc as plsc

_VOCAB = 1000000
_DIM = 64
_SEQ = 200
_BATCH = 4096
_NC = 2
_NS = 16
_NW = _NC * _NS
_ROWS_W = _BATCH // _NW
_IDXPAD = 256
_G1 = 128
_G2 = _SEQ - _G1
_NBUF = 4


def _pos_encoding_np():
    position_idx = np.arange(0, _SEQ, dtype=np.float32)[:, None]
    fill = position_idx * np.exp(
        -np.arange(0, _DIM, 2, dtype=np.float32) * math.log(10000.0) / _DIM)
    pos = np.zeros((_SEQ, _DIM), dtype=np.float32)
    pos[:, 0::2] = np.sin(fill)
    pos[:, 1::2] = np.cos(fill)
    return pos


_MESH = plsc.VectorSubcoreMesh(core_axis_name="c", subcore_axis_name="s")


@functools.partial(
    pl.kernel,
    mesh=_MESH,
    out_type=jax.ShapeDtypeStruct((_BATCH, _SEQ, _DIM), jnp.float32),
    scratch_types=[
        pltpu.VMEM((_ROWS_W, _IDXPAD), jnp.int32),
        pltpu.VMEM((_NBUF, _SEQ, _DIM), jnp.float32),
        pltpu.VMEM((_SEQ, _DIM), jnp.float32),
        pltpu.SemaphoreType.DMA,
        pltpu.SemaphoreType.DMA,
        pltpu.SemaphoreType.DMA,
        pltpu.SemaphoreType.DMA,
        pltpu.SemaphoreType.DMA,
        pltpu.SemaphoreType.DMA,
        pltpu.SemaphoreType.DMA,
        pltpu.SemaphoreType.DMA,
    ],
    compiler_params=pltpu.CompilerParams(use_tc_tiling_on_sc=False),
)
def _sc_embed(table_hbm, x_hbm, pos_hbm, out_hbm,
              idx_v, rows_v, pos_sh,
              sg0, sg1, sg2, sg3, so0, so1, so2, so3):
    sid = lax.axis_index("s")
    wid = sid * _NC + lax.axis_index("c")
    row0 = wid * _ROWS_W

    pltpu.sync_copy(pos_hbm, pos_sh)
    pltpu.sync_copy(x_hbm.at[pl.ds(row0, _ROWS_W)], idx_v)

    sg = (sg0, sg1, sg2, sg3)
    so = (so0, so1, so2, so3)

    def body(g, carry):
        descs = []
        for b in range(_NBUF):
            r = g * _NBUF + b

            @pl.when(g >= 1)
            def _():
                pltpu.make_async_copy(
                    rows_v.at[b], out_hbm.at[0], so[b]).wait()

            descs.append(pltpu.async_copy(
                table_hbm.at[idx_v.at[r, pl.ds(0, _G1)]],
                rows_v.at[b, pl.ds(0, _G1)], sg[b]))
            descs.append(pltpu.async_copy(
                table_hbm.at[idx_v.at[r, pl.ds(_G1, _G2)]],
                rows_v.at[b, pl.ds(_G1, _G2)], sg[b]))
        for b in range(_NBUF):
            r = g * _NBUF + b
            descs[2 * b].wait()
            descs[2 * b + 1].wait()
            pltpu.async_copy(rows_v.at[b], out_hbm.at[row0 + r], so[b])
        return carry

    lax.fori_loop(0, _ROWS_W // _NBUF, body, 0)
    for b in range(_NBUF):
        pltpu.make_async_copy(rows_v.at[b], out_hbm.at[0], so[b]).wait()


def kernel(x, emb_table):
    pos = jnp.asarray(_pos_encoding_np())
    x2d = jnp.pad(x.astype(jnp.int32), ((0, 0), (0, _IDXPAD - _SEQ)))
    return _sc_embed(emb_table, x2d, pos)

# --- scband reference (transcript-rebuilt; emitter-appended) ---
"""Pipeline reference for scband-embedding-with-position-6837587935358 (READ-ONLY COPY).

The authoritative reference and input builder live on the scoring server;
editing this copy changes nothing except your own understanding.
"""

import jax, jax.numpy as jnp
import numpy as np
import math

VOCAB_SIZE = 1000000
DIM = 64
SEQ_MAX_LEN = 200
BATCH = 4096
SEQ_LEN = 200


def _make_pos_encoding(seq_max_len, dim):
    position_idx = np.arange(0, seq_max_len, dtype=np.float32)[:, None]
    position_emb_fill = position_idx * np.exp(-np.arange(0, dim, 2, dtype=np.float32) * math.log(10000.0) / dim)
    pos_encoding = np.zeros((seq_max_len, dim), dtype=np.float32)
    pos_encoding[:, 0::2] = np.sin(position_emb_fill)
    pos_encoding[:, 1::2] = np.cos(position_emb_fill)
    return jnp.asarray(pos_encoding)


def setup_inputs(seed: int = 0) -> dict:
    key = jax.random.key(seed)
    k1, k2 = jax.random.split(key)
    x = jax.random.randint(k1, (BATCH, SEQ_LEN), 0, VOCAB_SIZE, dtype=jnp.int64 if jax.config.jax_enable_x64 else jnp.int32)
    emb_table = jax.random.normal(k2, (VOCAB_SIZE, DIM), dtype=jnp.float32)
    return {"x": x, "emb_table": emb_table}


def reference(x, emb_table):
    pos_encoding = _make_pos_encoding(SEQ_MAX_LEN, DIM)
    out = jnp.take(emb_table, x, axis=0)
    out = out + pos_encoding[None, :out.shape[1], :]
    return out

if __name__ == "__main__":
    import jax
    _d = setup_inputs()
    print(jax.jit(kernel)(*tuple(_d.values())))

</pallas_src>

<mosaic_0001>
#map = affine_map<(d0, d1) -> (0, 0)>
#map1 = affine_map<(d0, d1) -> (0, 0, 0)>
module attributes {stable_mosaic.version = 14 : i64} {
  func.func @_sc_embed(%arg0: i32, %arg1: i32, %arg2: memref<1000000x64xf32, #tpu.memory_space<hbm>>, %arg3: memref<4096x256xi32, #tpu.memory_space<hbm>>, %arg4: memref<200x64xf32, #tpu.memory_space<hbm>>, %arg5: memref<4096x200x64xf32, #tpu.memory_space<hbm>>, %arg6: memref<128x256xi32, #tpu.memory_space<vmem>>, %arg7: memref<4x200x64xf32, #tpu.memory_space<vmem>>, %arg8: memref<200x64xf32, #tpu.memory_space<vmem>>, %arg9: memref<!tpu.dma_semaphore, #tpu.memory_space<semaphore_mem>>, %arg10: memref<!tpu.dma_semaphore, #tpu.memory_space<semaphore_mem>>, %arg11: memref<!tpu.dma_semaphore, #tpu.memory_space<semaphore_mem>>, %arg12: memref<!tpu.dma_semaphore, #tpu.memory_space<semaphore_mem>>, %arg13: memref<!tpu.dma_semaphore, #tpu.memory_space<semaphore_mem>>, %arg14: memref<!tpu.dma_semaphore, #tpu.memory_space<semaphore_mem>>, %arg15: memref<!tpu.dma_semaphore, #tpu.memory_space<semaphore_mem>>, %arg16: memref<!tpu.dma_semaphore, #tpu.memory_space<semaphore_mem>>) attributes {dimension_semantics = [#tpu.dimension_semantics<core_parallel>, #tpu.dimension_semantics<subcore_parallel>], iteration_bounds = array<i64: 2, 16>, scalar_prefetch = 0 : i64, scratch_operands = 11 : i64, tpu.core_type = #tpu.core_type<sc_vector_subcore>, window_params = [{transform_indices = #map}, {transform_indices = #map}, {transform_indices = #map}, {transform_indices = #map1}]} {
    %mul3A = arith.constant 2 : i32
    %mul3A_0 = arith.muli %arg1, %mul3A : i32
    %add3A = arith.addi %mul3A_0, %arg0 : i32
    %mul3A_1 = arith.constant 128 : i32
    %mul3A_2 = arith.muli %add3A, %mul3A_1 : i32
    "tpu.region"() ({
      %run_scoped3A = tpu.sem_alloc : memref<!tpu.dma_semaphore, #tpu.memory_space<semaphore_mem>>
      tpu.enqueue_dma source(%arg4 : memref<200x64xf32, #tpu.memory_space<hbm>>) target(%arg8 : memref<200x64xf32, #tpu.memory_space<vmem>>) target_semaphore(%run_scoped3A : memref<!tpu.dma_semaphore, #tpu.memory_space<semaphore_mem>>)
      tpu.wait_dma2 semaphore(%run_scoped3A : memref<!tpu.dma_semaphore, #tpu.memory_space<semaphore_mem>>) src(%arg4 : memref<200x64xf32, #tpu.memory_space<hbm>>) dst(%arg8 : memref<200x64xf32, #tpu.memory_space<vmem>>)
      tpu.yield
    }) : () -> ()
    "tpu.region"() ({
      %run_scoped3A = tpu.sem_alloc : memref<!tpu.dma_semaphore, #tpu.memory_space<semaphore_mem>>
      %dma_start3A = arith.constant 0 : i32
      %dma_start3A_79 = tpu.memref_slice %arg3[%mul3A_2, %dma_start3A] : memref<4096x256xi32, #tpu.memory_space<hbm>> -> memref<128x256xi32, #tpu.memory_space<hbm>>
      %dma_start3A_80 = arith.constant 0 : i32
      %dma_start3A_81 = tpu.memref_slice %arg3[%mul3A_2, %dma_start3A_80] : memref<4096x256xi32, #tpu.memory_space<hbm>> -> memref<128x256xi32, #tpu.memory_space<hbm>>
      tpu.enqueue_dma source(%dma_start3A_81 : memref<128x256xi32, #tpu.memory_space<hbm>>) target(%arg6 : memref<128x256xi32, #tpu.memory_space<vmem>>) target_semaphore(%run_scoped3A : memref<!tpu.dma_semaphore, #tpu.memory_space<semaphore_mem>>)
      %dma_wait3A_82 = arith.constant 0 : i32
      %dma_wait3A_83 = tpu.memref_slice %arg3[%mul3A_2, %dma_wait3A_82] : memref<4096x256xi32, #tpu.memory_space<hbm>> -> memref<128x256xi32, #tpu.memory_space<hbm>>
      %dma_wait3A_84 = arith.constant 0 : i32
      %dma_wait3A_85 = tpu.memref_slice %arg3[%mul3A_2, %dma_wait3A_84] : memref<4096x256xi32, #tpu.memory_space<hbm>> -> memref<128x256xi32, #tpu.memory_space<hbm>>
      tpu.wait_dma2 semaphore(%run_scoped3A : memref<!tpu.dma_semaphore, #tpu.memory_space<semaphore_mem>>) src(%dma_wait3A_85 : memref<128x256xi32, #tpu.memory_space<hbm>>) dst(%arg6 : memref<128x256xi32, #tpu.memory_space<vmem>>)
      tpu.yield
    }) : () -> ()
    %scan3A = arith.constant 0 : i32
    %scan3A_3 = arith.constant 0 : i32
    %scan3A_4 = arith.constant 32 : i32
    %scan3A_5 = arith.addi %scan3A_3, %scan3A_4 : i32
    %scan3A_6 = arith.constant 1 : i32
    scf.for %scan3A_79 = %scan3A_3 to %scan3A_5 step %scan3A_6  : i32 {
      %mul3A_80 = arith.constant 4 : i32
      %mul3A_81 = arith.muli %scan3A_79, %mul3A_80 : i32
      %add3A_82 = arith.constant 0 : i32
      %add3A_83 = arith.addi %mul3A_81, %add3A_82 : i32
      %ge3A = arith.constant 1 : i32
      %ge3A_84 = arith.cmpi sge, %scan3A_79, %ge3A : i32
      %convert_element_type3A = arith.extui %ge3A_84 : i1 to i32
      %cond3A = arith.constant 0 : i32
      %cond3A_85 = arith.cmpi ne, %convert_element_type3A, %cond3A : i32
      scf.if %cond3A_85 {
        %dma_wait3A_376 = arith.constant 0 : i32
        %dma_wait3A_377 = arith.constant 0 : i32
        %dma_wait3A_378 = arith.constant 0 : i32
        %dma_wait3A_379 = arith.constant 0 : i32
        %dma_wait3A_380 = tpu.memref_slice %arg7[%dma_wait3A_376, %dma_wait3A_378, %dma_wait3A_379] : memref<4x200x64xf32, #tpu.memory_space<vmem>> -> memref<1x200x64xf32, #tpu.memory_space<vmem>>
        %dma_wait3A_381 = tpu.memref_squeeze %dma_wait3A_380 : memref<1x200x64xf32, #tpu.memory_space<vmem>> -> memref<200x64xf32, #tpu.memory_space<vmem>>
        %dma_wait3A_382 = arith.constant 0 : i32
        %dma_wait3A_383 = arith.constant 0 : i32
        %dma_wait3A_384 = tpu.memref_slice %arg5[%dma_wait3A_377, %dma_wait3A_382, %dma_wait3A_383] : memref<4096x200x64xf32, #tpu.memory_space<hbm>> -> memref<1x200x64xf32, #tpu.memory_space<hbm>>
        %dma_wait3A_385 = tpu.memref_squeeze %dma_wait3A_384 : memref<1x200x64xf32, #tpu.memory_space<hbm>> -> memref<200x64xf32, #tpu.memory_space<hbm>>
        %dma_wait3A_386 = arith.constant 0 : i32
        %dma_wait3A_387 = arith.constant 0 : i32
        %dma_wait3A_388 = tpu.memref_slice %arg5[%dma_wait3A_377, %dma_wait3A_386, %dma_wait3A_387] : memref<4096x200x64xf32, #tpu.memory_space<hbm>> -> memref<1x200x64xf32, #tpu.memory_space<hbm>>
        %dma_wait3A_389 = tpu.memref_squeeze %dma_wait3A_388 : memref<1x200x64xf32, #tpu.memory_space<hbm>> -> memref<200x64xf32, #tpu.memory_space<hbm>>
        %dma_wait3A_390 = arith.constant 0 : i32
        %dma_wait3A_391 = arith.constant 0 : i32
        %dma_wait3A_392 = tpu.memref_slice %arg7[%dma_wait3A_376, %dma_wait3A_390, %dma_wait3A_391] : memref<4x200x64xf32, #tpu.memory_space<vmem>> -> memref<1x200x64xf32, #tpu.memory_space<vmem>>
        %dma_wait3A_393 = tpu.memref_squeeze %dma_wait3A_392 : memref<1x200x64xf32, #tpu.memory_space<vmem>> -> memref<200x64xf32, #tpu.memory_space<vmem>>
        tpu.wait_dma2 semaphore(%arg13 : memref<!tpu.dma_semaphore, #tpu.memory_space<semaphore_mem>>) src(%dma_wait3A_393 : memref<200x64xf32, #tpu.memory_space<vmem>>) dst(%dma_wait3A_389 : memref<200x64xf32, #tpu.memory_space<hbm>>)
      } else {
      }
      %dma_start3A = arith.constant 0 : i32
      %dma_start3A_86 = arith.constant 0 : i32
      %dma_start3A_87 = arith.constant 0 : i32
      %dma_start3A_88 = tpu.memref_slice %arg7[%dma_start3A, %dma_start3A_86, %dma_start3A_87] : memref<4x200x64xf32, #tpu.memory_space<vmem>> -> memref<1x128x64xf32, #tpu.memory_space<vmem>>
      %dma_start3A_89 = tpu.memref_squeeze %dma_start3A_88 : memref<1x128x64xf32, #tpu.memory_space<vmem>> -> memref<128x64xf32, #tpu.memory_space<vmem>>
      %dma_start3A_90 = arith.constant 0 : i32
      %dma_start3A_91 = tpu.memref_slice %arg6[%add3A_83, %dma_start3A_90] : memref<128x256xi32, #tpu.memory_space<vmem>> -> memref<1x128xi32, #tpu.memory_space<vmem>>
      %dma_start3A_92 = tpu.memref_squeeze %dma_start3A_91 : memref<1x128xi32, #tpu.memory_space<vmem>> -> memref<128xi32, #tpu.memory_space<vmem>>
      %dma_start3A_93 = arith.constant 0 : i32
      %dma_start3A_94 = arith.constant 0 : i32
      %dma_start3A_95 = tpu.memref_slice %arg2[%dma_start3A_93, %dma_start3A_94] : memref<1000000x64xf32, #tpu.memory_space<hbm>> -> memref<1000000x64xf32, #tpu.memory_space<hbm>>
      tpu.enqueue_indirect_dma source(%dma_start3A_95 : memref<1000000x64xf32, #tpu.memory_space<hbm>>) target(%dma_start3A_89 : memref<128x64xf32, #tpu.memory_space<vmem>>) offsets(%dma_start3A_92 : memref<128xi32, #tpu.memory_space<vmem>>) semaphore(%arg9 : memref<!tpu.dma_semaphore, #tpu.memory_space<semaphore_mem>>)
      %dma_start3A_96 = arith.constant 0 : i32
      %dma_start3A_97 = arith.constant 128 : i32
      %dma_start3A_98 = arith.constant 0 : i32
      %dma_start3A_99 = tpu.memref_slice %arg7[%dma_start3A_96, %dma_start3A_97, %dma_start3A_98] : memref<4x200x64xf32, #tpu.memory_space<vmem>> -> memref<1x72x64xf32, #tpu.memory_space<vmem>>
      %dma_start3A_100 = tpu.memref_squeeze %dma_start3A_99 : memref<1x72x64xf32, #tpu.memory_space<vmem>> -> memref<72x64xf32, #tpu.memory_space<vmem>>
      %dma_start3A_101 = arith.constant 128 : i32
      %dma_start3A_102 = tpu.memref_slice %arg6[%add3A_83, %dma_start3A_101] : memref<128x256xi32, #tpu.memory_space<vmem>> -> memref<1x72xi32, #tpu.memory_space<vmem>>
      %dma_start3A_103 = tpu.memref_squeeze %dma_start3A_102 : memref<1x72xi32, #tpu.memory_space<vmem>> -> memref<72xi32, #tpu.memory_space<vmem>>
      %dma_start3A_104 = arith.constant 0 : i32
      %dma_start3A_105 = arith.constant 0 : i32
      %dma_start3A_106 = tpu.memref_slice %arg2[%dma_start3A_104, %dma_start3A_105] : memref<1000000x64xf32, #tpu.memory_space<hbm>> -> memref<1000000x64xf32, #tpu.memory_space<hbm>>
      tpu.enqueue_indirect_dma source(%dma_start3A_106 : memref<1000000x64xf32, #tpu.memory_space<hbm>>) target(%dma_start3A_100 : memref<72x64xf32, #tpu.memory_space<vmem>>) offsets(%dma_start3A_103 : memref<72xi32, #tpu.memory_space<vmem>>) semaphore(%arg9 : memref<!tpu.dma_semaphore, #tpu.memory_space<semaphore_mem>>)
      %mul3A_107 = arith.constant 4 : i32
      %mul3A_108 = arith.muli %scan3A_79, %mul3A_107 : i32
      %add3A_109 = arith.constant 1 : i32
      %add3A_110 = arith.addi %mul3A_108, %add3A_109 : i32
      %ge3A_111 = arith.constant 1 : i32
      %ge3A_112 = arith.cmpi sge, %scan3A_79, %ge3A_111 : i32
      %convert_element_type3A_113 = arith.extui %ge3A_112 : i1 to i32
      %cond3A_114 = arith.constant 0 : i32
      %cond3A_115 = arith.cmpi ne, %convert_element_type3A_113, %cond3A_114 : i32
      scf.if %cond3A_115 {
        %dma_wait3A_376 = arith.constant 1 : i32
        %dma_wait3A_377 = arith.constant 0 : i32
        %dma_wait3A_378 = arith.constant 0 : i32
        %dma_wait3A_379 = arith.constant 0 : i32
        %dma_wait3A_380 = tpu.memref_slice %arg7[%dma_wait3A_376, %dma_wait3A_378, %dma_wait3A_379] : memref<4x200x64xf32, #tpu.memory_space<vmem>> -> memref<1x200x64xf32, #tpu.memory_space<vmem>>
        %dma_wait3A_381 = tpu.memref_squeeze %dma_wait3A_380 : memref<1x200x64xf32, #tpu.memory_space<vmem>> -> memref<200x64xf32, #tpu.memory_space<vmem>>
        %dma_wait3A_382 = arith.constant 0 : i32
        %dma_wait3A_383 = arith.constant 0 : i32
        %dma_wait3A_384 = tpu.memref_slice %arg5[%dma_wait3A_377, %dma_wait3A_382, %dma_wait3A_383] : memref<4096x200x64xf32, #tpu.memory_space<hbm>> -> memref<1x200x64xf32, #tpu.memory_space<hbm>>
        %dma_wait3A_385 = tpu.memref_squeeze %dma_wait3A_384 : memref<1x200x64xf32, #tpu.memory_space<hbm>> -> memref<200x64xf32, #tpu.memory_space<hbm>>
        %dma_wait3A_386 = arith.constant 0 : i32
        %dma_wait3A_387 = arith.constant 0 : i32
        %dma_wait3A_388 = tpu.memref_slice %arg5[%dma_wait3A_377, %dma_wait3A_386, %dma_wait3A_387] : memref<4096x200x64xf32, #tpu.memory_space<hbm>> -> memref<1x200x64xf32, #tpu.memory_space<hbm>>
        %dma_wait3A_389 = tpu.memref_squeeze %dma_wait3A_388 : memref<1x200x64xf32, #tpu.memory_space<hbm>> -> memref<200x64xf32, #tpu.memory_space<hbm>>
        %dma_wait3A_390 = arith.constant 0 : i32
        %dma_wait3A_391 = arith.constant 0 : i32
        %dma_wait3A_392 = tpu.memref_slice %arg7[%dma_wait3A_376, %dma_wait3A_390, %dma_wait3A_391] : memref<4x200x64xf32, #tpu.memory_space<vmem>> -> memref<1x200x64xf32, #tpu.memory_space<vmem>>
        %dma_wait3A_393 = tpu.memref_squeeze %dma_wait3A_392 : memref<1x200x64xf32, #tpu.memory_space<vmem>> -> memref<200x64xf32, #tpu.memory_space<vmem>>
        tpu.wait_dma2 semaphore(%arg14 : memref<!tpu.dma_semaphore, #tpu.memory_space<semaphore_mem>>) src(%dma_wait3A_393 : memref<200x64xf32, #tpu.memory_space<vmem>>) dst(%dma_wait3A_389 : memref<200x64xf32, #tpu.memory_space<hbm>>)
      } else {
      }
      %dma_start3A_116 = arith.constant 1 : i32
      %dma_start3A_117 = arith.constant 0 : i32
      %dma_start3A_118 = arith.constant 0 : i32
      %dma_start3A_119 = tpu.memref_slice %arg7[%dma_start3A_116, %dma_start3A_117, %dma_start3A_118] : memref<4x200x64xf32, #tpu.memory_space<vmem>> -> memref<1x128x64xf32, #tpu.memory_space<vmem>>
      %dma_start3A_120 = tpu.memref_squeeze %dma_start3A_119 : memref<1x128x64xf32, #tpu.memory_space<vmem>> -> memref<128x64xf32, #tpu.memory_space<vmem>>
      %dma_start3A_121 = arith.constant 0 : i32
      %dma_start3A_122 = tpu.memref_slice %arg6[%add3A_110, %dma_start3A_121] : memref<128x256xi32, #tpu.memory_space<vmem>> -> memref<1x128xi32, #tpu.memory_space<vmem>>
      %dma_start3A_123 = tpu.memref_squeeze %dma_start3A_122 : memref<1x128xi32, #tpu.memory_space<vmem>> -> memref<128xi32, #tpu.memory_space<vmem>>
      %dma_start3A_124 = arith.constant 0 : i32
      %dma_start3A_125 = arith.constant 0 : i32
      %dma_start3A_126 = tpu.memref_slice %arg2[%dma_start3A_124, %dma_start3A_125] : memref<1000000x64xf32, #tpu.memory_space<hbm>> -> memref<1000000x64xf32, #tpu.memory_space<hbm>>
      tpu.enqueue_indirect_dma source(%dma_start3A_126 : memref<1000000x64xf32, #tpu.memory_space<hbm>>) target(%dma_start3A_120 : memref<128x64xf32, #tpu.memory_space<vmem>>) offsets(%dma_start3A_123 : memref<128xi32, #tpu.memory_space<vmem>>) semaphore(%arg10 : memref<!tpu.dma_semaphore, #tpu.memory_space<semaphore_mem>>)
      %dma_start3A_127 = arith.constant 1 : i32
      %dma_start3A_128 = arith.constant 128 : i32
      %dma_start3A_129 = arith.constant 0 : i32
      %dma_start3A_130 = tpu.memref_slice %arg7[%dma_start3A_127, %dma_start3A_128, %dma_start3A_129] : memref<4x200x64xf32, #tpu.memory_space<vmem>> -> memref<1x72x64xf32, #tpu.memory_space<vmem>>
      %dma_start3A_131 = tpu.memref_squeeze %dma_start3A_130 : memref<1x72x64xf32, #tpu.memory_space<vmem>> -> memref<72x64xf32, #tpu.memory_space<vmem>>
      %dma_start3A_132 = arith.constant 128 : i32
      %dma_start3A_133 = tpu.memref_slice %arg6[%add3A_110, %dma_start3A_132] : memref<128x256xi32, #tpu.memory_space<vmem>> -> memref<1x72xi32, #tpu.memory_space<vmem>>
      %dma_start3A_134 = tpu.memref_squeeze %dma_start3A_133 : memref<1x72xi32, #tpu.memory_space<vmem>> -> memref<72xi32, #tpu.memory_space<vmem>>
      %dma_start3A_135 = arith.constant 0 : i32
      %dma_start3A_136 = arith.constant 0 : i32
      %dma_start3A_137 = tpu.memref_slice %arg2[%dma_start3A_135, %dma_start3A_136] : memref<1000000x64xf32, #tpu.memory_space<hbm>> -> memref<1000000x64xf32, #tpu.memory_space<hbm>>
      tpu.enqueue_indirect_dma source(%dma_start3A_137 : memref<1000000x64xf32, #tpu.memory_space<hbm>>) target(%dma_start3A_131 : memref<72x64xf32, #tpu.memory_space<vmem>>) offsets(%dma_start3A_134 : memref<72xi32, #tpu.memory_space<vmem>>) semaphore(%arg10 : memref<!tpu.dma_semaphore, #tpu.memory_space<semaphore_mem>>)
      %mul3A_138 = arith.constant 4 : i32
      %mul3A_139 = arith.muli %scan3A_79, %mul3A_138 : i32
      %add3A_140 = arith.constant 2 : i32
      %add3A_141 = arith.addi %mul3A_139, %add3A_140 : i32
      %ge3A_142 = arith.constant 1 : i32
      %ge3A_143 = arith.cmpi sge, %scan3A_79, %ge3A_142 : i32
      %convert_element_type3A_144 = arith.extui %ge3A_143 : i1 to i32
      %cond3A_145 = arith.constant 0 : i32
      %cond3A_146 = arith.cmpi ne, %convert_element_type3A_144, %cond3A_145 : i32
      scf.if %cond3A_146 {
        %dma_wait3A_376 = arith.constant 2 : i32
        %dma_wait3A_377 = arith.constant 0 : i32
        %dma_wait3A_378 = arith.constant 0 : i32
        %dma_wait3A_379 = arith.constant 0 : i32
        %dma_wait3A_380 = tpu.memref_slice %arg7[%dma_wait3A_376, %dma_wait3A_378, %dma_wait3A_379] : memref<4x200x64xf32, #tpu.memory_space<vmem>> -> memref<1x200x64xf32, #tpu.memory_space<vmem>>
        %dma_wait3A_381 = tpu.memref_squeeze %dma_wait3A_380 : memref<1x200x64xf32, #tpu.memory_space<vmem>> -> memref<200x64xf32, #tpu.memory_space<vmem>>
        %dma_wait3A_382 = arith.constant 0 : i32
        %dma_wait3A_383 = arith.constant 0 : i32
        %dma_wait3A_384 = tpu.memref_slice %arg5[%dma_wait3A_377, %dma_wait3A_382, %dma_wait3A_383] : memref<4096x200x64xf32, #tpu.memory_space<hbm>> -> memref<1x200x64xf32, #tpu.memory_space<hbm>>
        %dma_wait3A_385 = tpu.memref_squeeze %dma_wait3A_384 : memref<1x200x64xf32, #tpu.memory_space<hbm>> -> memref<200x64xf32, #tpu.memory_space<hbm>>
        %dma_wait3A_386 = arith.constant 0 : i32
        %dma_wait3A_387 = arith.constant 0 : i32
        %dma_wait3A_388 = tpu.memref_slice %arg5[%dma_wait3A_377, %dma_wait3A_386, %dma_wait3A_387] : memref<4096x200x64xf32, #tpu.memory_space<hbm>> -> memref<1x200x64xf32, #tpu.memory_space<hbm>>
        %dma_wait3A_389 = tpu.memref_squeeze %dma_wait3A_388 : memref<1x200x64xf32, #tpu.memory_space<hbm>> -> memref<200x64xf32, #tpu.memory_space<hbm>>
        %dma_wait3A_390 = arith.constant 0 : i32
        %dma_wait3A_391 = arith.constant 0 : i32
        %dma_wait3A_392 = tpu.memref_slice %arg7[%dma_wait3A_376, %dma_wait3A_390, %dma_wait3A_391] : memref<4x200x64xf32, #tpu.memory_space<vmem>> -> memref<1x200x64xf32, #tpu.memory_space<vmem>>
        %dma_wait3A_393 = tpu.memref_squeeze %dma_wait3A_392 : memref<1x200x64xf32, #tpu.memory_space<vmem>> -> memref<200x64xf32, #tpu.memory_space<vmem>>
        tpu.wait_dma2 semaphore(%arg15 : memref<!tpu.dma_semaphore, #tpu.memory_space<semaphore_mem>>) src(%dma_wait3A_393 : memref<200x64xf32, #tpu.memory_space<vmem>>) dst(%dma_wait3A_389 : memref<200x64xf32, #tpu.memory_space<hbm>>)
      } else {
      }
      %dma_start3A_147 = arith.constant 2 : i32
      %dma_start3A_148 = arith.constant 0 : i32
      %dma_start3A_149 = arith.constant 0 : i32
      %dma_start3A_150 = tpu.memref_slice %arg7[%dma_start3A_147, %dma_start3A_148, %dma_start3A_149] : memref<4x200x64xf32, #tpu.memory_space<vmem>> -> memref<1x128x64xf32, #tpu.memory_space<vmem>>
      %dma_start3A_151 = tpu.memref_squeeze %dma_start3A_150 : memref<1x128x64xf32, #tpu.memory_space<vmem>> -> memref<128x64xf32, #tpu.memory_space<vmem>>
      %dma_start3A_152 = arith.constant 0 : i32
      %dma_start3A_153 = tpu.memref_slice %arg6[%add3A_141, %dma_start3A_152] : memref<128x256xi32, #tpu.memory_space<vmem>> -> memref<1x128xi32, #tpu.memory_space<vmem>>
      %dma_start3A_154 = tpu.memref_squeeze %dma_start3A_153 : memref<1x128xi32, #tpu.memory_space<vmem>> -> memref<128xi32, #tpu.memory_space<vmem>>
      %dma_start3A_155 = arith.constant 0 : i32
      %dma_start3A_156 = arith.constant 0 : i32
      %dma_start3A_157 = tpu.memref_slice %arg2[%dma_start3A_155, %dma_start3A_156] : memref<1000000x64xf32, #tpu.memory_space<hbm>> -> memref<1000000x64xf32, #tpu.memory_space<hbm>>
      tpu.enqueue_indirect_dma source(%dma_start3A_157 : memref<1000000x64xf32, #tpu.memory_space<hbm>>) target(%dma_start3A_151 : memref<128x64xf32, #tpu.memory_space<vmem>>) offsets(%dma_start3A_154 : memref<128xi32, #tpu.memory_space<vmem>>) semaphore(%arg11 : memref<!tpu.dma_semaphore, #tpu.memory_space<semaphore_mem>>)
      %dma_start3A_158 = arith.constant 2 : i32
      %dma_start3A_159 = arith.constant 128 : i32
      %dma_start3A_160 = arith.constant 0 : i32
      %dma_start3A_161 = tpu.memref_slice %arg7[%dma_start3A_158, %dma_start3A_159, %dma_start3A_160] : memref<4x200x64xf32, #tpu.memory_space<vmem>> -> memref<1x72x64xf32, #tpu.memory_space<vmem>>
      %dma_start3A_162 = tpu.memref_squeeze %dma_start3A_161 : memref<1x72x64xf32, #tpu.memory_space<vmem>> -> memref<72x64xf32, #tpu.memory_space<vmem>>
      %dma_start3A_163 = arith.constant 128 : i32
      %dma_start3A_164 = tpu.memref_slice %arg6[%add3A_141, %dma_start3A_163] : memref<128x256xi32, #tpu.memory_space<vmem>> -> memref<1x72xi32, #tpu.memory_space<vmem>>
      %dma_start3A_165 = tpu.memref_squeeze %dma_start3A_164 : memref<1x72xi32, #tpu.memory_space<vmem>> -> memref<72xi32, #tpu.memory_space<vmem>>
      %dma_start3A_166 = arith.constant 0 : i32
      %dma_start3A_167 = arith.constant 0 : i32
      %dma_start3A_168 = tpu.memref_slice %arg2[%dma_start3A_166, %dma_start3A_167] : memref<1000000x64xf32, #tpu.memory_space<hbm>> -> memref<1000000x64xf32, #tpu.memory_space<hbm>>
      tpu.enqueue_indirect_dma source(%dma_start3A_168 : memref<1000000x64xf32, #tpu.memory_space<hbm>>) target(%dma_start3A_162 : memref<72x64xf32, #tpu.memory_space<vmem>>) offsets(%dma_start3A_165 : memref<72xi32, #tpu.memory_space<vmem>>) semaphore(%arg11 : memref<!tpu.dma_semaphore, #tpu.memory_space<semaphore_mem>>)
      %mul3A_169 = arith.constant 4 : i32
      %mul3A_170 = arith.muli %scan3A_79, %mul3A_169 : i32
      %add3A_171 = arith.constant 3 : i32
      %add3A_172 = arith.addi %mul3A_170, %add3A_171 : i32
      %ge3A_173 = arith.constant 1 : i32
      %ge3A_174 = arith.cmpi sge, %scan3A_79, %ge3A_173 : i32
      %convert_element_type3A_175 = arith.extui %ge3A_174 : i1 to i32
      %cond3A_176 = arith.constant 0 : i32
      %cond3A_177 = arith.cmpi ne, %convert_element_type3A_175, %cond3A_176 : i32
      scf.if %cond3A_177 {
        %dma_wait3A_376 = arith.constant 3 : i32
        %dma_wait3A_377 = arith.constant 0 : i32
        %dma_wait3A_378 = arith.constant 0 : i32
        %dma_wait3A_379 = arith.constant 0 : i32
        %dma_wait3A_380 = tpu.memref_slice %arg7[%dma_wait3A_376, %dma_wait3A_378, %dma_wait3A_379] : memref<4x200x64xf32, #tpu.memory_space<vmem>> -> memref<1x200x64xf32, #tpu.memory_space<vmem>>
        %dma_wait3A_381 = tpu.memref_squeeze %dma_wait3A_380 : memref<1x200x64xf32, #tpu.memory_space<vmem>> -> memref<200x64xf32, #tpu.memory_space<vmem>>
        %dma_wait3A_382 = arith.constant 0 : i32
        %dma_wait3A_383 = arith.constant 0 : i32
        %dma_wait3A_384 = tpu.memref_slice %arg5[%dma_wait3A_377, %dma_wait3A_382, %dma_wait3A_383] : memref<4096x200x64xf32, #tpu.memory_space<hbm>> -> memref<1x200x64xf32, #tpu.memory_space<hbm>>
        %dma_wait3A_385 = tpu.memref_squeeze %dma_wait3A_384 : memref<1x200x64xf32, #tpu.memory_space<hbm>> -> memref<200x64xf32, #tpu.memory_space<hbm>>
        %dma_wait3A_386 = arith.constant 0 : i32
        %dma_wait3A_387 = arith.constant 0 : i32
        %dma_wait3A_388 = tpu.memref_slice %arg5[%dma_wait3A_377, %dma_wait3A_386, %dma_wait3A_387] : memref<4096x200x64xf32, #tpu.memory_space<hbm>> -> memref<1x200x64xf32, #tpu.memory_space<hbm>>
        %dma_wait3A_389 = tpu.memref_squeeze %dma_wait3A_388 : memref<1x200x64xf32, #tpu.memory_space<hbm>> -> memref<200x64xf32, #tpu.memory_space<hbm>>
        %dma_wait3A_390 = arith.constant 0 : i32
        %dma_wait3A_391 = arith.constant 0 : i32
        %dma_wait3A_392 = tpu.memref_slice %arg7[%dma_wait3A_376, %dma_wait3A_390, %dma_wait3A_391] : memref<4x200x64xf32, #tpu.memory_space<vmem>> -> memref<1x200x64xf32, #tpu.memory_space<vmem>>
        %dma_wait3A_393 = tpu.memref_squeeze %dma_wait3A_392 : memref<1x200x64xf32, #tpu.memory_space<vmem>> -> memref<200x64xf32, #tpu.memory_space<vmem>>
        tpu.wait_dma2 semaphore(%arg16 : memref<!tpu.dma_semaphore, #tpu.memory_space<semaphore_mem>>) src(%dma_wait3A_393 : memref<200x64xf32, #tpu.memory_space<vmem>>) dst(%dma_wait3A_389 : memref<200x64xf32, #tpu.memory_space<hbm>>)
      } else {
      }
      %dma_start3A_178 = arith.constant 3 : i32
      %dma_start3A_179 = arith.constant 0 : i32
      %dma_start3A_180 = arith.constant 0 : i32
      %dma_start3A_181 = tpu.memref_slice %arg7[%dma_start3A_178, %dma_start3A_179, %dma_start3A_180] : memref<4x200x64xf32, #tpu.memory_space<vmem>> -> memref<1x128x64xf32, #tpu.memory_space<vmem>>
      %dma_start3A_182 = tpu.memref_squeeze %dma_start3A_181 : memref<1x128x64xf32, #tpu.memory_space<vmem>> -> memref<128x64xf32, #tpu.memory_space<vmem>>
      %dma_start3A_183 = arith.constant 0 : i32
      %dma_start3A_184 = tpu.memref_slice %arg6[%add3A_172, %dma_start3A_183] : memref<128x256xi32, #tpu.memory_space<vmem>> -> memref<1x128xi32, #tpu.memory_space<vmem>>
      %dma_start3A_185 = tpu.memref_squeeze %dma_start3A_184 : memref<1x128xi32, #tpu.memory_space<vmem>> -> memref<128xi32, #tpu.memory_space<vmem>>
      %dma_start3A_186 = arith.constant 0 : i32
      %dma_start3A_187 = arith.constant 0 : i32
      %dma_start3A_188 = tpu.memref_slice %arg2[%dma_start3A_186, %dma_start3A_187] : memref<1000000x64xf32, #tpu.memory_space<hbm>> -> memref<1000000x64xf32, #tpu.memory_space<hbm>>
      tpu.enqueue_indirect_dma source(%dma_start3A_188 : memref<1000000x64xf32, #tpu.memory_space<hbm>>) target(%dma_start3A_182 : memref<128x64xf32, #tpu.memory_space<vmem>>) offsets(%dma_start3A_185 : memref<128xi32, #tpu.memory_space<vmem>>) semaphore(%arg12 : memref<!tpu.dma_semaphore, #tpu.memory_space<semaphore_mem>>)
      %dma_start3A_189 = arith.constant 3 : i32
      %dma_start3A_190 = arith.constant 128 : i32
      %dma_start3A_191 = arith.constant 0 : i32
      %dma_start3A_192 = tpu.memref_slice %arg7[%dma_start3A_189, %dma_start3A_190, %dma_start3A_191] : memref<4x200x64xf32, #tpu.memory_space<vmem>> -> memref<1x72x64xf32, #tpu.memory_space<vmem>>
      %dma_start3A_193 = tpu.memref_squeeze %dma_start3A_192 : memref<1x72x64xf32, #tpu.memory_space<vmem>> -> memref<72x64xf32, #tpu.memory_space<vmem>>
      %dma_start3A_194 = arith.constant 128 : i32
      %dma_start3A_195 = tpu.memref_slice %arg6[%add3A_172, %dma_start3A_194] : memref<128x256xi32, #tpu.memory_space<vmem>> -> memref<1x72xi32, #tpu.memory_space<vmem>>
      %dma_start3A_196 = tpu.memref_squeeze %dma_start3A_195 : memref<1x72xi32, #tpu.memory_space<vmem>> -> memref<72xi32, #tpu.memory_space<vmem>>
      %dma_start3A_197 = arith.constant 0 : i32
      %dma_start3A_198 = arith.constant 0 : i32
      %dma_start3A_199 = tpu.memref_slice %arg2[%dma_start3A_197, %dma_start3A_198] : memref<1000000x64xf32, #tpu.memory_space<hbm>> -> memref<1000000x64xf32, #tpu.memory_space<hbm>>
      tpu.enqueue_indirect_dma source(%dma_start3A_199 : memref<1000000x64xf32, #tpu.memory_space<hbm>>) target(%dma_start3A_193 : memref<72x64xf32, #tpu.memory_space<vmem>>) offsets(%dma_start3A_196 : memref<72xi32, #tpu.memory_space<vmem>>) semaphore(%arg12 : memref<!tpu.dma_semaphore, #tpu.memory_space<semaphore_mem>>)
      %mul3A_200 = arith.constant 4 : i32
      %mul3A_201 = arith.muli %scan3A_79, %mul3A_200 : i32
      %add3A_202 = arith.constant 0 : i32
      %add3A_203 = arith.addi %mul3A_201, %add3A_202 : i32
      %dma_wait3A_204 = arith.constant 0 : i32
      %dma_wait3A_205 = arith.constant 0 : i32
      %dma_wait3A_206 = arith.constant 0 : i32
      %dma_wait3A_207 = tpu.memref_slice %arg7[%dma_wait3A_204, %dma_wait3A_205, %dma_wait3A_206] : memref<4x200x64xf32, #tpu.memory_space<vmem>> -> memref<1x128x64xf32, #tpu.memory_space<vmem>>
      %dma_wait3A_208 = tpu.memref_squeeze %dma_wait3A_207 : memref<1x128x64xf32, #tpu.memory_space<vmem>> -> memref<128x64xf32, #tpu.memory_space<vmem>>
      %dma_wait3A_209 = arith.constant 0 : i32
      %dma_wait3A_210 = tpu.memref_slice %arg6[%add3A_83, %dma_wait3A_209] : memref<128x256xi32, #tpu.memory_space<vmem>> -> memref<1x128xi32, #tpu.memory_space<vmem>>
      %dma_wait3A_211 = tpu.memref_squeeze %dma_wait3A_210 : memref<1x128xi32, #tpu.memory_space<vmem>> -> memref<128xi32, #tpu.memory_space<vmem>>
      %dma_wait3A_212 = arith.constant 0 : i32
      %dma_wait3A_213 = arith.constant 0 : i32
      %dma_wait3A_214 = tpu.memref_slice %arg2[%dma_wait3A_212, %dma_wait3A_213] : memref<1000000x64xf32, #tpu.memory_space<hbm>> -> memref<1000000x64xf32, #tpu.memory_space<hbm>>
      tpu.wait_indirect_dma semaphore(%arg9 : memref<!tpu.dma_semaphore, #tpu.memory_space<semaphore_mem>>) src(%dma_wait3A_214 : memref<1000000x64xf32, #tpu.memory_space<hbm>>) dst(%dma_wait3A_208 : memref<128x64xf32, #tpu.memory_space<vmem>>)
      %dma_wait3A_215 = arith.constant 0 : i32
      %dma_wait3A_216 = arith.constant 128 : i32
      %dma_wait3A_217 = arith.constant 0 : i32
      %dma_wait3A_218 = tpu.memref_slice %arg7[%dma_wait3A_215, %dma_wait3A_216, %dma_wait3A_217] : memref<4x200x64xf32, #tpu.memory_space<vmem>> -> memref<1x72x64xf32, #tpu.memory_space<vmem>>
      %dma_wait3A_219 = tpu.memref_squeeze %dma_wait3A_218 : memref<1x72x64xf32, #tpu.memory_space<vmem>> -> memref<72x64xf32, #tpu.memory_space<vmem>>
      %dma_wait3A_220 = arith.constant 128 : i32
      %dma_wait3A_221 = tpu.memref_slice %arg6[%add3A_83, %dma_wait3A_220] : memref<128x256xi32, #tpu.memory_space<vmem>> -> memref<1x72xi32, #tpu.memory_space<vmem>>
      %dma_wait3A_222 = tpu.memref_squeeze %dma_wait3A_221 : memref<1x72xi32, #tpu.memory_space<vmem>> -> memref<72xi32, #tpu.memory_space<vmem>>
      %dma_wait3A_223 = arith.constant 0 : i32
      %dma_wait3A_224 = arith.constant 0 : i32
      %dma_wait3A_225 = tpu.memref_slice %arg2[%dma_wait3A_223, %dma_wait3A_224] : memref<1000000x64xf32, #tpu.memory_space<hbm>> -> memref<1000000x64xf32, #tpu.memory_space<hbm>>
      tpu.wait_indirect_dma semaphore(%arg9 : memref<!tpu.dma_semaphore, #tpu.memory_space<semaphore_mem>>) src(%dma_wait3A_225 : memref<1000000x64xf32, #tpu.memory_space<hbm>>) dst(%dma_wait3A_219 : memref<72x64xf32, #tpu.memory_space<vmem>>)
      %add3A_226 = arith.addi %mul3A_2, %add3A_203 : i32
      %dma_start3A_227 = arith.constant 0 : i32
      %dma_start3A_228 = arith.constant 0 : i32
      %dma_start3A_229 = arith.constant 0 : i32
      %dma_start3A_230 = tpu.memref_slice %arg7[%dma_start3A_227, %dma_start3A_228, %dma_start3A_229] : memref<4x200x64xf32, #tpu.memory_space<vmem>> -> memref<1x200x64xf32, #tpu.memory_space<vmem>>
      %dma_start3A_231 = tpu.memref_squeeze %dma_start3A_230 : memref<1x200x64xf32, #tpu.memory_space<vmem>> -> memref<200x64xf32, #tpu.memory_space<vmem>>
      %dma_start3A_232 = arith.constant 0 : i32
      %dma_start3A_233 = arith.constant 0 : i32
      %dma_start3A_234 = tpu.memref_slice %arg5[%add3A_226, %dma_start3A_232, %dma_start3A_233] : memref<4096x200x64xf32, #tpu.memory_space<hbm>> -> memref<1x200x64xf32, #tpu.memory_space<hbm>>
      %dma_start3A_235 = tpu.memref_squeeze %dma_start3A_234 : memref<1x200x64xf32, #tpu.memory_space<hbm>> -> memref<200x64xf32, #tpu.memory_space<hbm>>
      %dma_start3A_236 = arith.constant 0 : i32
      %dma_start3A_237 = arith.constant 0 : i32
      %dma_start3A_238 = tpu.memref_slice %arg5[%add3A_226, %dma_start3A_236, %dma_start3A_237] : memref<4096x200x64xf32, #tpu.memory_space<hbm>> -> memref<1x200x64xf32, #tpu.memory_space<hbm>>
      %dma_start3A_239 = tpu.memref_squeeze %dma_start3A_238 : memref<1x200x64xf32, #tpu.memory_space<hbm>> -> memref<200x64xf32, #tpu.memory_space<hbm>>
      %dma_start3A_240 = arith.constant 0 : i32
      %dma_start3A_241 = arith.constant 0 : i32
      %dma_start3A_242 = tpu.memref_slice %arg7[%dma_start3A_227, %dma_start3A_240, %dma_start3A_241] : memref<4x200x64xf32, #tpu.memory_space<vmem>> -> memref<1x200x64xf32, #tpu.memory_space<vmem>>
      %dma_start3A_243 = tpu.memref_squeeze %dma_start3A_242 : memref<1x200x64xf32, #tpu.memory_space<vmem>> -> memref<200x64xf32, #tpu.memory_space<vmem>>
      tpu.enqueue_dma source(%dma_start3A_243 : memref<200x64xf32, #tpu.memory_space<vmem>>) target(%dma_start3A_239 : memref<200x64xf32, #tpu.memory_space<hbm>>) target_semaphore(%arg13 : memref<!tpu.dma_semaphore, #tpu.memory_space<semaphore_mem>>)
      %mul3A_244 = arith.constant 4 : i32
      %mul3A_245 = arith.muli %scan3A_79, %mul3A_244 : i32
      %add3A_246 = arith.constant 1 : i32
      %add3A_247 = arith.addi %mul3A_245, %add3A_246 : i32
      %dma_wait3A_248 = arith.constant 1 : i32
      %dma_wait3A_249 = arith.constant 0 : i32
      %dma_wait3A_250 = arith.constant 0 : i32
      %dma_wait3A_251 = tpu.memref_slice %arg7[%dma_wait3A_248, %dma_wait3A_249, %dma_wait3A_250] : memref<4x200x64xf32, #tpu.memory_space<vmem>> -> memref<1x128x64xf32, #tpu.memory_space<vmem>>
      %dma_wait3A_252 = tpu.memref_squeeze %dma_wait3A_251 : memref<1x128x64xf32, #tpu.memory_space<vmem>> -> memref<128x64xf32, #tpu.memory_space<vmem>>
      %dma_wait3A_253 = arith.constant 0 : i32
      %dma_wait3A_254 = tpu.memref_slice %arg6[%add3A_110, %dma_wait3A_253] : memref<128x256xi32, #tpu.memory_space<vmem>> -> memref<1x128xi32, #tpu.memory_space<vmem>>
      %dma_wait3A_255 = tpu.memref_squeeze %dma_wait3A_254 : memref<1x128xi32, #tpu.memory_space<vmem>> -> memref<128xi32, #tpu.memory_space<vmem>>
      %dma_wait3A_256 = arith.constant 0 : i32
      %dma_wait3A_257 = arith.constant 0 : i32
      %dma_wait3A_258 = tpu.memref_slice %arg2[%dma_wait3A_256, %dma_wait3A_257] : memref<1000000x64xf32, #tpu.memory_space<hbm>> -> memref<1000000x64xf32, #tpu.memory_space<hbm>>
      tpu.wait_indirect_dma semaphore(%arg10 : memref<!tpu.dma_semaphore, #tpu.memory_space<semaphore_mem>>) src(%dma_wait3A_258 : memref<1000000x64xf32, #tpu.memory_space<hbm>>) dst(%dma_wait3A_252 : memref<128x64xf32, #tpu.memory_space<vmem>>)
      %dma_wait3A_259 = arith.constant 1 : i32
      %dma_wait3A_260 = arith.constant 128 : i32
      %dma_wait3A_261 = arith.constant 0 : i32
      %dma_wait3A_262 = tpu.memref_slice %arg7[%dma_wait3A_259, %dma_wait3A_260, %dma_wait3A_261] : memref<4x200x64xf32, #tpu.memory_space<vmem>> -> memref<1x72x64xf32, #tpu.memory_space<vmem>>
      %dma_wait3A_263 = tpu.memref_squeeze %dma_wait3A_262 : memref<1x72x64xf32, #tpu.memory_space<vmem>> -> memref<72x64xf32, #tpu.memory_space<vmem>>
      %dma_wait3A_264 = arith.constant 128 : i32
      %dma_wait3A_265 = tpu.memref_slice %arg6[%add3A_110, %dma_wait3A_264] : memref<128x256xi32, #tpu.memory_space<vmem>> -> memref<1x72xi32, #tpu.memory_space<vmem>>
      %dma_wait3A_266 = tpu.memref_squeeze %dma_wait3A_265 : memref<1x72xi32, #tpu.memory_space<vmem>> -> memref<72xi32, #tpu.memory_space<vmem>>
      %dma_wait3A_267 = arith.constant 0 : i32
      %dma_wait3A_268 = arith.constant 0 : i32
      %dma_wait3A_269 = tpu.memref_slice %arg2[%dma_wait3A_267, %dma_wait3A_268] : memref<1000000x64xf32, #tpu.memory_space<hbm>> -> memref<1000000x64xf32, #tpu.memory_space<hbm>>
      tpu.wait_indirect_dma semaphore(%arg10 : memref<!tpu.dma_semaphore, #tpu.memory_space<semaphore_mem>>) src(%dma_wait3A_269 : memref<1000000x64xf32, #tpu.memory_space<hbm>>) dst(%dma_wait3A_263 : memref<72x64xf32, #tpu.memory_space<vmem>>)
      %add3A_270 = arith.addi %mul3A_2, %add3A_247 : i32
      %dma_start3A_271 = arith.constant 1 : i32
      %dma_start3A_272 = arith.constant 0 : i32
      %dma_start3A_273 = arith.constant 0 : i32
      %dma_start3A_274 = tpu.memref_slice %arg7[%dma_start3A_271, %dma_start3A_272, %dma_start3A_273] : memref<4x200x64xf32, #tpu.memory_space<vmem>> -> memref<1x200x64xf32, #tpu.memory_space<vmem>>
      %dma_start3A_275 = tpu.memref_squeeze %dma_start3A_274 : memref<1x200x64xf32, #tpu.memory_space<vmem>> -> memref<200x64xf32, #tpu.memory_space<vmem>>
      %dma_start3A_276 = arith.constant 0 : i32
      %dma_start3A_277 = arith.constant 0 : i32
      %dma_start3A_278 = tpu.memref_slice %arg5[%add3A_270, %dma_start3A_276, %dma_start3A_277] : memref<4096x200x64xf32, #tpu.memory_space<hbm>> -> memref<1x200x64xf32, #tpu.memory_space<hbm>>
      %dma_start3A_279 = tpu.memref_squeeze %dma_start3A_278 : memref<1x200x64xf32, #tpu.memory_space<hbm>> -> memref<200x64xf32, #tpu.memory_space<hbm>>
      %dma_start3A_280 = arith.constant 0 : i32
      %dma_start3A_281 = arith.constant 0 : i32
      %dma_start3A_282 = tpu.memref_slice %arg5[%add3A_270, %dma_start3A_280, %dma_start3A_281] : memref<4096x200x64xf32, #tpu.memory_space<hbm>> -> memref<1x200x64xf32, #tpu.memory_space<hbm>>
      %dma_start3A_283 = tpu.memref_squeeze %dma_start3A_282 : memref<1x200x64xf32, #tpu.memory_space<hbm>> -> memref<200x64xf32, #tpu.memory_space<hbm>>
      %dma_start3A_284 = arith.constant 0 : i32
      %dma_start3A_285 = arith.constant 0 : i32
      %dma_start3A_286 = tpu.memref_slice %arg7[%dma_start3A_271, %dma_start3A_284, %dma_start3A_285] : memref<4x200x64xf32, #tpu.memory_space<vmem>> -> memref<1x200x64xf32, #tpu.memory_space<vmem>>
      %dma_start3A_287 = tpu.memref_squeeze %dma_start3A_286 : memref<1x200x64xf32, #tpu.memory_space<vmem>> -> memref<200x64xf32, #tpu.memory_space<vmem>>
      tpu.enqueue_dma source(%dma_start3A_287 : memref<200x64xf32, #tpu.memory_space<vmem>>) target(%dma_start3A_283 : memref<200x64xf32, #tpu.memory_space<hbm>>) target_semaphore(%arg14 : memref<!tpu.dma_semaphore, #tpu.memory_space<semaphore_mem>>)
      %mul3A_288 = arith.constant 4 : i32
      %mul3A_289 = arith.muli %scan3A_79, %mul3A_288 : i32
      %add3A_290 = arith.constant 2 : i32
      %add3A_291 = arith.addi %mul3A_289, %add3A_290 : i32
      %dma_wait3A_292 = arith.constant 2 : i32
      %dma_wait3A_293 = arith.constant 0 : i32
      %dma_wait3A_294 = arith.constant 0 : i32
      %dma_wait3A_295 = tpu.memref_slice %arg7[%dma_wait3A_292, %dma_wait3A_293, %dma_wait3A_294] : memref<4x200x64xf32, #tpu.memory_space<vmem>> -> memref<1x128x64xf32, #tpu.memory_space<vmem>>
      %dma_wait3A_296 = tpu.memref_squeeze %dma_wait3A_295 : memref<1x128x64xf32, #tpu.memory_space<vmem>> -> memref<128x64xf32, #tpu.memory_space<vmem>>
      %dma_wait3A_297 = arith.constant 0 : i32
      %dma_wait3A_298 = tpu.memref_slice %arg6[%add3A_141, %dma_wait3A_297] : memref<128x256xi32, #tpu.memory_space<vmem>> -> memref<1x128xi32, #tpu.memory_space<vmem>>
      %dma_wait3A_299 = tpu.memref_squeeze %dma_wait3A_298 : memref<1x128xi32, #tpu.memory_space<vmem>> -> memref<128xi32, #tpu.memory_space<vmem>>
      %dma_wait3A_300 = arith.constant 0 : i32
      %dma_wait3A_301 = arith.constant 0 : i32
      %dma_wait3A_302 = tpu.memref_slice %arg2[%dma_wait3A_300, %dma_wait3A_301] : memref<1000000x64xf32, #tpu.memory_space<hbm>> -> memref<1000000x64xf32, #tpu.memory_space<hbm>>
      tpu.wait_indirect_dma semaphore(%arg11 : memref<!tpu.dma_semaphore, #tpu.memory_space<semaphore_mem>>) src(%dma_wait3A_302 : memref<1000000x64xf32, #tpu.memory_space<hbm>>) dst(%dma_wait3A_296 : memref<128x64xf32, #tpu.memory_space<vmem>>)
      %dma_wait3A_303 = arith.constant 2 : i32
      %dma_wait3A_304 = arith.constant 128 : i32
      %dma_wait3A_305 = arith.constant 0 : i32
      %dma_wait3A_306 = tpu.memref_slice %arg7[%dma_wait3A_303, %dma_wait3A_304, %dma_wait3A_305] : memref<4x200x64xf32, #tpu.memory_space<vmem>> -> memref<1x72x64xf32, #tpu.memory_space<vmem>>
      %dma_wait3A_307 = tpu.memref_squeeze %dma_wait3A_306 : memref<1x72x64xf32, #tpu.memory_space<vmem>> -> memref<72x64xf32, #tpu.memory_space<vmem>>
      %dma_wait3A_308 = arith.constant 128 : i32
      %dma_wait3A_309 = tpu.memref_slice %arg6[%add3A_141, %dma_wait3A_308] : memref<128x256xi32, #tpu.memory_space<vmem>> -> memref<1x72xi32, #tpu.memory_space<vmem>>
      %dma_wait3A_310 = tpu.memref_squeeze %dma_wait3A_309 : memref<1x72xi32, #tpu.memory_space<vmem>> -> memref<72xi32, #tpu.memory_space<vmem>>
      %dma_wait3A_311 = arith.constant 0 : i32
      %dma_wait3A_312 = arith.constant 0 : i32
      %dma_wait3A_313 = tpu.memref_slice %arg2[%dma_wait3A_311, %dma_wait3A_312] : memref<1000000x64xf32, #tpu.memory_space<hbm>> -> memref<1000000x64xf32, #tpu.memory_space<hbm>>
      tpu.wait_indirect_dma semaphore(%arg11 : memref<!tpu.dma_semaphore, #tpu.memory_space<semaphore_mem>>) src(%dma_wait3A_313 : memref<1000000x64xf32, #tpu.memory_space<hbm>>) dst(%dma_wait3A_307 : memref<72x64xf32, #tpu.memory_space<vmem>>)
      %add3A_314 = arith.addi %mul3A_2, %add3A_291 : i32
      %dma_start3A_315 = arith.constant 2 : i32
      %dma_start3A_316 = arith.constant 0 : i32
      %dma_start3A_317 = arith.constant 0 : i32
      %dma_start3A_318 = tpu.memref_slice %arg7[%dma_start3A_315, %dma_start3A_316, %dma_start3A_317] : memref<4x200x64xf32, #tpu.memory_space<vmem>> -> memref<1x200x64xf32, #tpu.memory_space<vmem>>
      %dma_start3A_319 = tpu.memref_squeeze %dma_start3A_318 : memref<1x200x64xf32, #tpu.memory_space<vmem>> -> memref<200x64xf32, #tpu.memory_space<vmem>>
      %dma_start3A_320 = arith.constant 0 : i32
      %dma_start3A_321 = arith.constant 0 : i32
      %dma_start3A_322 = tpu.memref_slice %arg5[%add3A_314, %dma_start3A_320, %dma_start3A_321] : memref<4096x200x64xf32, #tpu.memory_space<hbm>> -> memref<1x200x64xf32, #tpu.memory_space<hbm>>
      %dma_start3A_323 = tpu.memref_squeeze %dma_start3A_322 : memref<1x200x64xf32, #tpu.memory_space<hbm>> -> memref<200x64xf32, #tpu.memory_space<hbm>>
      %dma_start3A_324 = arith.constant 0 : i32
      %dma_start3A_325 = arith.constant 0 : i32
      %dma_start3A_326 = tpu.memref_slice %arg5[%add3A_314, %dma_start3A_324, %dma_start3A_325] : memref<4096x200x64xf32, #tpu.memory_space<hbm>> -> memref<1x200x64xf32, #tpu.memory_space<hbm>>
      %dma_start3A_327 = tpu.memref_squeeze %dma_start3A_326 : memref<1x200x64xf32, #tpu.memory_space<hbm>> -> memref<200x64xf32, #tpu.memory_space<hbm>>
      %dma_start3A_328 = arith.constant 0 : i32
      %dma_start3A_329 = arith.constant 0 : i32
      %dma_start3A_330 = tpu.memref_slice %arg7[%dma_start3A_315, %dma_start3A_328, %dma_start3A_329] : memref<4x200x64xf32, #tpu.memory_space<vmem>> -> memref<1x200x64xf32, #tpu.memory_space<vmem>>
      %dma_start3A_331 = tpu.memref_squeeze %dma_start3A_330 : memref<1x200x64xf32, #tpu.memory_space<vmem>> -> memref<200x64xf32, #tpu.memory_space<vmem>>
      tpu.enqueue_dma source(%dma_start3A_331 : memref<200x64xf32, #tpu.memory_space<vmem>>) target(%dma_start3A_327 : memref<200x64xf32, #tpu.memory_space<hbm>>) target_semaphore(%arg15 : memref<!tpu.dma_semaphore, #tpu.memory_space<semaphore_mem>>)
      %mul3A_332 = arith.constant 4 : i32
      %mul3A_333 = arith.muli %scan3A_79, %mul3A_332 : i32
      %add3A_334 = arith.constant 3 : i32
      %add3A_335 = arith.addi %mul3A_333, %add3A_334 : i32
      %dma_wait3A_336 = arith.constant 3 : i32
      %dma_wait3A_337 = arith.constant 0 : i32
      %dma_wait3A_338 = arith.constant 0 : i32
      %dma_wait3A_339 = tpu.memref_slice %arg7[%dma_wait3A_336, %dma_wait3A_337, %dma_wait3A_338] : memref<4x200x64xf32, #tpu.memory_space<vmem>> -> memref<1x128x64xf32, #tpu.memory_space<vmem>>
      %dma_wait3A_340 = tpu.memref_squeeze %dma_wait3A_339 : memref<1x128x64xf32, #tpu.memory_space<vmem>> -> memref<128x64xf32, #tpu.memory_space<vmem>>
      %dma_wait3A_341 = arith.constant 0 : i32
      %dma_wait3A_342 = tpu.memref_slice %arg6[%add3A_172, %dma_wait3A_341] : memref<128x256xi32, #tpu.memory_space<vmem>> -> memref<1x128xi32, #tpu.memory_space<vmem>>
      %dma_wait3A_343 = tpu.memref_squeeze %dma_wait3A_342 : memref<1x128xi32, #tpu.memory_space<vmem>> -> memref<128xi32, #tpu.memory_space<vmem>>
      %dma_wait3A_344 = arith.constant 0 : i32
      %dma_wait3A_345 = arith.constant 0 : i32
      %dma_wait3A_346 = tpu.memref_slice %arg2[%dma_wait3A_344, %dma_wait3A_345] : memref<1000000x64xf32, #tpu.memory_space<hbm>> -> memref<1000000x64xf32, #tpu.memory_space<hbm>>
      tpu.wait_indirect_dma semaphore(%arg12 : memref<!tpu.dma_semaphore, #tpu.memory_space<semaphore_mem>>) src(%dma_wait3A_346 : memref<1000000x64xf32, #tpu.memory_space<hbm>>) dst(%dma_wait3A_340 : memref<128x64xf32, #tpu.memory_space<vmem>>)
      %dma_wait3A_347 = arith.constant 3 : i32
      %dma_wait3A_348 = arith.constant 128 : i32
      %dma_wait3A_349 = arith.constant 0 : i32
      %dma_wait3A_350 = tpu.memref_slice %arg7[%dma_wait3A_347, %dma_wait3A_348, %dma_wait3A_349] : memref<4x200x64xf32, #tpu.memory_space<vmem>> -> memref<1x72x64xf32, #tpu.memory_space<vmem>>
      %dma_wait3A_351 = tpu.memref_squeeze %dma_wait3A_350 : memref<1x72x64xf32, #tpu.memory_space<vmem>> -> memref<72x64xf32, #tpu.memory_space<vmem>>
      %dma_wait3A_352 = arith.constant 128 : i32
      %dma_wait3A_353 = tpu.memref_slice %arg6[%add3A_172, %dma_wait3A_352] : memref<128x256xi32, #tpu.memory_space<vmem>> -> memref<1x72xi32, #tpu.memory_space<vmem>>
      %dma_wait3A_354 = tpu.memref_squeeze %dma_wait3A_353 : memref<1x72xi32, #tpu.memory_space<vmem>> -> memref<72xi32, #tpu.memory_space<vmem>>
      %dma_wait3A_355 = arith.constant 0 : i32
      %dma_wait3A_356 = arith.constant 0 : i32
      %dma_wait3A_357 = tpu.memref_slice %arg2[%dma_wait3A_355, %dma_wait3A_356] : memref<1000000x64xf32, #tpu.memory_space<hbm>> -> memref<1000000x64xf32, #tpu.memory_space<hbm>>
      tpu.wait_indirect_dma semaphore(%arg12 : memref<!tpu.dma_semaphore, #tpu.memory_space<semaphore_mem>>) src(%dma_wait3A_357 : memref<1000000x64xf32, #tpu.memory_space<hbm>>) dst(%dma_wait3A_351 : memref<72x64xf32, #tpu.memory_space<vmem>>)
      %add3A_358 = arith.addi %mul3A_2, %add3A_335 : i32
      %dma_start3A_359 = arith.constant 3 : i32
      %dma_start3A_360 = arith.constant 0 : i32
      %dma_start3A_361 = arith.constant 0 : i32
      %dma_start3A_362 = tpu.memref_slice %arg7[%dma_start3A_359, %dma_start3A_360, %dma_start3A_361] : memref<4x200x64xf32, #tpu.memory_space<vmem>> -> memref<1x200x64xf32, #tpu.memory_space<vmem>>
      %dma_start3A_363 = tpu.memref_squeeze %dma_start3A_362 : memref<1x200x64xf32, #tpu.memory_space<vmem>> -> memref<200x64xf32, #tpu.memory_space<vmem>>
      %dma_start3A_364 = arith.constant 0 : i32
      %dma_start3A_365 = arith.constant 0 : i32
      %dma_start3A_366 = tpu.memref_slice %arg5[%add3A_358, %dma_start3A_364, %dma_start3A_365] : memref<4096x200x64xf32, #tpu.memory_space<hbm>> -> memref<1x200x64xf32, #tpu.memory_space<hbm>>
      %dma_start3A_367 = tpu.memref_squeeze %dma_start3A_366 : memref<1x200x64xf32, #tpu.memory_space<hbm>> -> memref<200x64xf32, #tpu.memory_space<hbm>>
      %dma_start3A_368 = arith.constant 0 : i32
      %dma_start3A_369 = arith.constant 0 : i32
      %dma_start3A_370 = tpu.memref_slice %arg5[%add3A_358, %dma_start3A_368, %dma_start3A_369] : memref<4096x200x64xf32, #tpu.memory_space<hbm>> -> memref<1x200x64xf32, #tpu.memory_space<hbm>>
      %dma_start3A_371 = tpu.memref_squeeze %dma_start3A_370 : memref<1x200x64xf32, #tpu.memory_space<hbm>> -> memref<200x64xf32, #tpu.memory_space<hbm>>
      %dma_start3A_372 = arith.constant 0 : i32
      %dma_start3A_373 = arith.constant 0 : i32
      %dma_start3A_374 = tpu.memref_slice %arg7[%dma_start3A_359, %dma_start3A_372, %dma_start3A_373] : memref<4x200x64xf32, #tpu.memory_space<vmem>> -> memref<1x200x64xf32, #tpu.memory_space<vmem>>
      %dma_start3A_375 = tpu.memref_squeeze %dma_start3A_374 : memref<1x200x64xf32, #tpu.memory_space<vmem>> -> memref<200x64xf32, #tpu.memory_space<vmem>>
      tpu.enqueue_dma source(%dma_start3A_375 : memref<200x64xf32, #tpu.memory_space<vmem>>) target(%dma_start3A_371 : memref<200x64xf32, #tpu.memory_space<hbm>>) target_semaphore(%arg16 : memref<!tpu.dma_semaphore, #tpu.memory_space<semaphore_mem>>)
    }
    %scan3A_7 = arith.constant 32 : i32
    %dma_wait3A = arith.constant 0 : i32
    %dma_wait3A_8 = arith.constant 0 : i32
    %dma_wait3A_9 = arith.constant 0 : i32
    %dma_wait3A_10 = arith.constant 0 : i32
    %dma_wait3A_11 = tpu.memref_slice %arg7[%dma_wait3A, %dma_wait3A_9, %dma_wait3A_10] : memref<4x200x64xf32, #tpu.memory_space<vmem>> -> memref<1x200x64xf32, #tpu.memory_space<vmem>>
    %dma_wait3A_12 = tpu.memref_squeeze %dma_wait3A_11 : memref<1x200x64xf32, #tpu.memory_space<vmem>> -> memref<200x64xf32, #tpu.memory_space<vmem>>
    %dma_wait3A_13 = arith.constant 0 : i32
    %dma_wait3A_14 = arith.constant 0 : i32
    %dma_wait3A_15 = tpu.memref_slice %arg5[%dma_wait3A_8, %dma_wait3A_13, %dma_wait3A_14] : memref<4096x200x64xf32, #tpu.memory_space<hbm>> -> memref<1x200x64xf32, #tpu.memory_space<hbm>>
    %dma_wait3A_16 = tpu.memref_squeeze %dma_wait3A_15 : memref<1x200x64xf32, #tpu.memory_space<hbm>> -> memref<200x64xf32, #tpu.memory_space<hbm>>
    %dma_wait3A_17 = arith.constant 0 : i32
    %dma_wait3A_18 = arith.constant 0 : i32
    %dma_wait3A_19 = tpu.memref_slice %arg5[%dma_wait3A_8, %dma_wait3A_17, %dma_wait3A_18] : memref<4096x200x64xf32, #tpu.memory_space<hbm>> -> memref<1x200x64xf32, #tpu.memory_space<hbm>>
    %dma_wait3A_20 = tpu.memref_squeeze %dma_wait3A_19 : memref<1x200x64xf32, #tpu.memory_space<hbm>> -> memref<200x64xf32, #tpu.memory_space<hbm>>
    %dma_wait3A_21 = arith.constant 0 : i32
    %dma_wait3A_22 = arith.constant 0 : i32
    %dma_wait3A_23 = tpu.memref_slice %arg7[%dma_wait3A, %dma_wait3A_21, %dma_wait3A_22] : memref<4x200x64xf32, #tpu.memory_space<vmem>> -> memref<1x200x64xf32, #tpu.memory_space<vmem>>
    %dma_wait3A_24 = tpu.memref_squeeze %dma_wait3A_23 : memref<1x200x64xf32, #tpu.memory_space<vmem>> -> memref<200x64xf32, #tpu.memory_space<vmem>>
    tpu.wait_dma2 semaphore(%arg13 : memref<!tpu.dma_semaphore, #tpu.memory_space<semaphore_mem>>) src(%dma_wait3A_24 : memref<200x64xf32, #tpu.memory_space<vmem>>) dst(%dma_wait3A_20 : memref<200x64xf32, #tpu.memory_space<hbm>>)
    %dma_wait3A_25 = arith.constant 1 : i32
    %dma_wait3A_26 = arith.constant 0 : i32
    %dma_wait3A_27 = arith.constant 0 : i32
    %dma_wait3A_28 = arith.constant 0 : i32
    %dma_wait3A_29 = tpu.memref_slice %arg7[%dma_wait3A_25, %dma_wait3A_27, %dma_wait3A_28] : memref<4x200x64xf32, #tpu.memory_space<vmem>> -> memref<1x200x64xf32, #tpu.memory_space<vmem>>
    %dma_wait3A_30 = tpu.memref_squeeze %dma_wait3A_29 : memref<1x200x64xf32, #tpu.memory_space<vmem>> -> memref<200x64xf32, #tpu.memory_space<vmem>>
    %dma_wait3A_31 = arith.constant 0 : i32
    %dma_wait3A_32 = arith.constant 0 : i32
    %dma_wait3A_33 = tpu.memref_slice %arg5[%dma_wait3A_26, %dma_wait3A_31, %dma_wait3A_32] : memref<4096x200x64xf32, #tpu.memory_space<hbm>> -> memref<1x200x64xf32, #tpu.memory_space<hbm>>
    %dma_wait3A_34 = tpu.memref_squeeze %dma_wait3A_33 : memref<1x200x64xf32, #tpu.memory_space<hbm>> -> memref<200x64xf32, #tpu.memory_space<hbm>>
    %dma_wait3A_35 = arith.constant 0 : i32
    %dma_wait3A_36 = arith.constant 0 : i32
    %dma_wait3A_37 = tpu.memref_slice %arg5[%dma_wait3A_26, %dma_wait3A_35, %dma_wait3A_36] : memref<4096x200x64xf32, #tpu.memory_space<hbm>> -> memref<1x200x64xf32, #tpu.memory_space<hbm>>
    %dma_wait3A_38 = tpu.memref_squeeze %dma_wait3A_37 : memref<1x200x64xf32, #tpu.memory_space<hbm>> -> memref<200x64xf32, #tpu.memory_space<hbm>>
    %dma_wait3A_39 = arith.constant 0 : i32
    %dma_wait3A_40 = arith.constant 0 : i32
    %dma_wait3A_41 = tpu.memref_slice %arg7[%dma_wait3A_25, %dma_wait3A_39, %dma_wait3A_40] : memref<4x200x64xf32, #tpu.memory_space<vmem>> -> memref<1x200x64xf32, #tpu.memory_space<vmem>>
    %dma_wait3A_42 = tpu.memref_squeeze %dma_wait3A_41 : memref<1x200x64xf32, #tpu.memory_space<vmem>> -> memref<200x64xf32, #tpu.memory_space<vmem>>
    tpu.wait_dma2 semaphore(%arg14 : memref<!tpu.dma_semaphore, #tpu.memory_space<semaphore_mem>>) src(%dma_wait3A_42 : memref<200x64xf32, #tpu.memory_space<vmem>>) dst(%dma_wait3A_38 : memref<200x64xf32, #tpu.memory_space<hbm>>)
    %dma_wait3A_43 = arith.constant 2 : i32
    %dma_wait3A_44 = arith.constant 0 : i32
    %dma_wait3A_45 = arith.constant 0 : i32
    %dma_wait3A_46 = arith.constant 0 : i32
    %dma_wait3A_47 = tpu.memref_slice %arg7[%dma_wait3A_43, %dma_wait3A_45, %dma_wait3A_46] : memref<4x200x64xf32, #tpu.memory_space<vmem>> -> memref<1x200x64xf32, #tpu.memory_space<vmem>>
    %dma_wait3A_48 = tpu.memref_squeeze %dma_wait3A_47 : memref<1x200x64xf32, #tpu.memory_space<vmem>> -> memref<200x64xf32, #tpu.memory_space<vmem>>
    %dma_wait3A_49 = arith.constant 0 : i32
    %dma_wait3A_50 = arith.constant 0 : i32
    %dma_wait3A_51 = tpu.memref_slice %arg5[%dma_wait3A_44, %dma_wait3A_49, %dma_wait3A_50] : memref<4096x200x64xf32, #tpu.memory_space<hbm>> -> memref<1x200x64xf32, #tpu.memory_space<hbm>>
    %dma_wait3A_52 = tpu.memref_squeeze %dma_wait3A_51 : memref<1x200x64xf32, #tpu.memory_space<hbm>> -> memref<200x64xf32, #tpu.memory_space<hbm>>
    %dma_wait3A_53 = arith.constant 0 : i32
    %dma_wait3A_54 = arith.constant 0 : i32
    %dma_wait3A_55 = tpu.memref_slice %arg5[%dma_wait3A_44, %dma_wait3A_53, %dma_wait3A_54] : memref<4096x200x64xf32, #tpu.memory_space<hbm>> -> memref<1x200x64xf32, #tpu.memory_space<hbm>>
    %dma_wait3A_56 = tpu.memref_squeeze %dma_wait3A_55 : memref<1x200x64xf32, #tpu.memory_space<hbm>> -> memref<200x64xf32, #tpu.memory_space<hbm>>
    %dma_wait3A_57 = arith.constant 0 : i32
    %dma_wait3A_58 = arith.constant 0 : i32
    %dma_wait3A_59 = tpu.memref_slice %arg7[%dma_wait3A_43, %dma_wait3A_57, %dma_wait3A_58] : memref<4x200x64xf32, #tpu.memory_space<vmem>> -> memref<1x200x64xf32, #tpu.memory_space<vmem>>
    %dma_wait3A_60 = tpu.memref_squeeze %dma_wait3A_59 : memref<1x200x64xf32, #tpu.memory_space<vmem>> -> memref<200x64xf32, #tpu.memory_space<vmem>>
    tpu.wait_dma2 semaphore(%arg15 : memref<!tpu.dma_semaphore, #tpu.memory_space<semaphore_mem>>) src(%dma_wait3A_60 : memref<200x64xf32, #tpu.memory_space<vmem>>) dst(%dma_wait3A_56 : memref<200x64xf32, #tpu.memory_space<hbm>>)
    %dma_wait3A_61 = arith.constant 3 : i32
    %dma_wait3A_62 = arith.constant 0 : i32
    %dma_wait3A_63 = arith.constant 0 : i32
    %dma_wait3A_64 = arith.constant 0 : i32
    %dma_wait3A_65 = tpu.memref_slice %arg7[%dma_wait3A_61, %dma_wait3A_63, %dma_wait3A_64] : memref<4x200x64xf32, #tpu.memory_space<vmem>> -> memref<1x200x64xf32, #tpu.memory_space<vmem>>
    %dma_wait3A_66 = tpu.memref_squeeze %dma_wait3A_65 : memref<1x200x64xf32, #tpu.memory_space<vmem>> -> memref<200x64xf32, #tpu.memory_space<vmem>>
    %dma_wait3A_67 = arith.constant 0 : i32
    %dma_wait3A_68 = arith.constant 0 : i32
    %dma_wait3A_69 = tpu.memref_slice %arg5[%dma_wait3A_62, %dma_wait3A_67, %dma_wait3A_68] : memref<4096x200x64xf32, #tpu.memory_space<hbm>> -> memref<1x200x64xf32, #tpu.memory_space<hbm>>
    %dma_wait3A_70 = tpu.memref_squeeze %dma_wait3A_69 : memref<1x200x64xf32, #tpu.memory_space<hbm>> -> memref<200x64xf32, #tpu.memory_space<hbm>>
    %dma_wait3A_71 = arith.constant 0 : i32
    %dma_wait3A_72 = arith.constant 0 : i32
    %dma_wait3A_73 = tpu.memref_slice %arg5[%dma_wait3A_62, %dma_wait3A_71, %dma_wait3A_72] : memref<4096x200x64xf32, #tpu.memory_space<hbm>> -> memref<1x200x64xf32, #tpu.memory_space<hbm>>
    %dma_wait3A_74 = tpu.memref_squeeze %dma_wait3A_73 : memref<1x200x64xf32, #tpu.memory_space<hbm>> -> memref<200x64xf32, #tpu.memory_space<hbm>>
    %dma_wait3A_75 = arith.constant 0 : i32
    %dma_wait3A_76 = arith.constant 0 : i32
    %dma_wait3A_77 = tpu.memref_slice %arg7[%dma_wait3A_61, %dma_wait3A_75, %dma_wait3A_76] : memref<4x200x64xf32, #tpu.memory_space<vmem>> -> memref<1x200x64xf32, #tpu.memory_space<vmem>>
    %dma_wait3A_78 = tpu.memref_squeeze %dma_wait3A_77 : memref<1x200x64xf32, #tpu.memory_space<vmem>> -> memref<200x64xf32, #tpu.memory_space<vmem>>
    tpu.wait_dma2 semaphore(%arg16 : memref<!tpu.dma_semaphore, #tpu.memory_space<semaphore_mem>>) src(%dma_wait3A_78 : memref<200x64xf32, #tpu.memory_space<vmem>>) dst(%dma_wait3A_74 : memref<200x64xf32, #tpu.memory_space<hbm>>)
    return
  }
}

</mosaic_0001>

<sc_bundles>
// kernel: kernel.3.cloned.1.call-start
scs
__scs_entry_jumppad:
0x0: {  	(pc) =	sbr.rel $0x88, $3  }
0x1: {  	(tag) =	ssettag $0x0;
	lr =	simm.s32 $0x1  }
0x2: {  	[smem:$0x3F9F] =	sst lr;
	_ =	strace $0xD0000000  }
0x3: {  	_ = 	snop  }
0x4: {  	_ = 	snop  }
0x5: {  	_ = 	snop  }
0x6: {  	_ = 	snop  }
0x7: {  	_ = 	snop  }
__scs_overlays_trampoline_lowered:
0x8: {  	[smem:$0x3FAE] =	sst s0  }
0x9: {  	[smem:$0x3FAF] =	sst s1  }
0xa: {  	[smem:$0x3FB0] =	sst s2  }
0xb: {  	[smem:$0x3FB1] =	sst s3  }
0xc: {  	[smem:$0x3FB2] =	sst s4  }
0xd: {  	[smem:$0x3FB3] =	sst s5  }
0xe: {  	[smem:$0x3FB4] =	sst s6  }
0xf: {  	[smem:$0x3FB5] =	sst s7  }
0x10: {  	[smem:$0x3FB6] =	sst s8  }
0x11: {  	[smem:$0x3FB7] =	sst s9;
	s0 =	simm.s32 @!p0 $0x0  }
0x12: {  	s1 =	sld [smem:$0x3F9D];
	s0 =	simm.s32 @p0 $0x1  }
0x13: {  	[smem:$0x3FB8] =	sst s0;
	s0 =	simm.s32 @!p1 $0x0  }
0x14: {  	s2 =	sld [smem:$0x3F9C];
	s0 =	simm.s32 @p1 $0x1  }
0x15: {  	[smem:$0x3FB9] =	sst s0;
	s0 =	simm.s32 @!p2 $0x0  }
0x16: {  	s3 =	sld [smem:$0x3FDB];
	s0 =	simm.s32 @p2 $0x1  }
0x17: {  	s4 =	simm.s32 $0x1BF5;
	[smem:$0x3FBB] =	sst s0  }
0x18: {  	s0 =	sld [smem:$0x3F9E];
	_ =	swait.ge [sflag:s4], $0x0  }
0x19: {  	s7 =	sld [smem:$0x3F9F]  }
0x1a: {  	s8 =	sadd.s32 $0xFFFFE003, lr  }
0x1b: {  	s9 =	sadd.s32 $0xFFFFFEF7, lr;
	s5 =	simm.s32 $0xFFFFFFFF;
	p2 =	slt.u32 s8, $0xFFFFF086  }
0x1c: {  	p1 =	slt.u32 s9, $0xF7A;
	s5 =	simm.s32 @!p2 $0x0  }
0x1d: {  	s5 =	simm.s32 @p1 $0x1;
	p0 =	seq.s32 s7, s2  }
0x1e: {  	s7 =	smul.u32 @!p0 $0xF7A, s2;
	p2 =	seq.s32 @!p0 s5, $0x0  }
0x1f: {  	s9 =	smul.u32 $0xF7A, s1;
	s8 =	simm.s32 @!p0 $0x1BF5;
	p2 =	por !p2, p0  }
0x20: {  	[sflag:s8] =	ssyncset.s32 @!p0 $0xFFFFF086;
	s6 =	sadd.s32 @!p0 s3, s7;
	s7 =	simm.s32 @!p0 $0x108  }
0x21: {  	s3 =	sadd.s32 s3, s9;
	s6 =	sadd.s32 @!p0 $0x88, s6;
	s7 =	simm.s32 @p2 $0x1082  }
0x22: {  	[simem:s7], [sflag:s8] =	dma.local @!p0 [hbm:s6], $0xF7A  }
0x23: {  	s9 =	sor.u32 $0xD0000000, s2;
	s6 =	simm.s32 $0x108;
	_ =	swait.ge @!p0 [sflag:s8], $0x0  }
0x24: {  	s3 =	sadd.s32 $0x88, s3;
	s6 =	simm.s32 @!p1 $0x1082;
	[sflag:s4] =	ssyncset.s32 $0xFFFFF086  }
0x25: {  	[simem:s6], [sflag:s4] =	dma.local [hbm:s3], $0xF7A  }
0x26: {  	[smem:$0x3F9F] =	sst s1;
	(tag) =	ssettag s2;
	_ =	strace s9  }
0x27: {  	s1 =	sld [smem:$0x3FAF]  }
0x28: {  	s2 =	sld [smem:$0x3FB0]  }
0x29: {  	s4 =	sld [smem:$0x3FB2]  }
0x2a: {  	p0 =	seq.s32 s5, $0x0;
	s5 =	sld [smem:$0x3FB3]  }
0x2b: {  	s6 =	sld [smem:$0x3FB4]  }
0x2c: {  	s7 =	sld [smem:$0x3FB5]  }
0x2d: {  	s3 =	simm.s32 $0x108;
	s8 =	sld [smem:$0x3FB6]  }
0x2e: {  	s3 =	simm.s32 @!p0 $0x1082;
	s9 =	sld [smem:$0x3FB7]  }
0x2f: {  	lr =	sadd.s32 s0, s3;
	s0 =	sld [smem:$0x3FAE]  }
0x30: {  	s3 =	sld [smem:$0x3FB1]  }
0x31: {  	[smem:$0x3FBA] =	sst s10  }
0x32: {  	s10 =	sld [smem:$0x3FB8];
	_ =	sdelay $0x3  }
0x33: {  	p0 =	seq.s32 s10, $0x1;
	s10 =	sld [smem:$0x3FBA];
	_ =	sdelay $0x3  }
0x34: {  	[smem:$0x3FBA] =	sst s10  }
0x35: {  	s10 =	sld [smem:$0x3FB9];
	_ =	sdelay $0x3  }
0x36: {  	p1 =	seq.s32 s10, $0x1;
	s10 =	sld [smem:$0x3FBA];
	_ =	sdelay $0x3  }
0x37: {  	[smem:$0x3FBA] =	sst s10  }
0x38: {  	s10 =	sld [smem:$0x3FBB]  }
0x39: {  	_ = 	snop;
	(pc) =	sbr.ind lr, $3  }
0x3a: {  	_ = 	snop  }
0x3b: {  	_ = 	snop  }
0x3c: {  	p2 =	seq.s32 s10, $0x1;
	s10 =	sld [smem:$0x3FBA]  }
0x3d: {  	_ =	shalt  }
0x3e: {  	_ =	shalt  }
0x3f: {  	_ =	shalt  }
0x40: {  	_ =	shalt  }
0x41: {  	_ =	shalt  }
0x42: {  	_ =	shalt  }
0x43: {  	_ =	shalt  }
0x44: {  	_ =	shalt  }
0x45: {  	_ =	shalt  }
0x46: {  	_ =	shalt  }
0x47: {  	_ =	shalt  }
0x48: {  	_ =	shalt  }
0x49: {  	_ =	shalt  }
0x4a: {  	_ =	shalt  }
0x4b: {  	_ =	shalt  }
0x4c: {  	_ =	shalt  }
0x4d: {  	_ =	shalt  }
0x4e: {  	_ =	shalt  }
0x4f: {  	_ =	shalt  }
0x50: {  	_ =	shalt  }
0x51: {  	_ =	shalt  }
0x52: {  	_ =	shalt  }
0x53: {  	_ =	shalt  }
0x54: {  	_ =	shalt  }
0x55: {  	_ =	shalt  }
0x56: {  	_ =	shalt  }
0x57: {  	_ =	shalt  }
0x58: {  	_ =	shalt  }
0x59: {  	_ =	shalt  }
0x5a: {  	_ =	shalt  }
0x5b: {  	_ =	shalt  }
0x5c: {  	_ =	shalt  }
0x5d: {  	_ =	shalt  }
0x5e: {  	_ =	shalt  }
0x5f: {  	_ =	shalt  }
0x60: {  	_ =	shalt  }
0x61: {  	_ =	shalt  }
0x62: {  	_ =	shalt  }
0x63: {  	_ =	shalt  }
0x64: {  	_ =	shalt  }
0x65: {  	_ =	shalt  }
0x66: {  	_ =	shalt  }
0x67: {  	_ =	shalt  }
0x68: {  	_ =	shalt  }
0x69: {  	_ =	shalt  }
0x6a: {  	_ =	shalt  }
0x6b: {  	_ =	shalt  }
0x6c: {  	_ =	shalt  }
0x6d: {  	_ =	shalt  }
0x6e: {  	_ =	shalt  }
0x6f: {  	_ =	shalt  }
0x70: {  	_ =	shalt  }
0x71: {  	_ =	shalt  }
0x72: {  	_ =	shalt  }
0x73: {  	_ =	shalt  }
0x74: {  	_ =	shalt  }
0x75: {  	_ =	shalt  }
0x76: {  	_ =	shalt  }
0x77: {  	_ =	shalt  }
0x78: {  	_ =	shalt  }
0x79: {  	_ =	shalt  }
0x7a: {  	_ =	shalt  }
0x7b: {  	_ =	shalt  }
0x7c: {  	_ =	shalt  }
0x7d: {  	_ =	shalt  }
0x7e: {  	_ =	shalt  }
0x7f: {  	_ =	shalt  }
0x80: {  	_ =	shalt  }
0x81: {  	_ =	shalt  }
0x82: {  	_ =	shalt  }
0x83: {  	_ =	shalt  }
0x84: {  	_ =	shalt  }
0x85: {  	_ =	shalt  }
0x86: {  	_ =	shalt  }
0x87: {  	_ =	shalt  }
.Lfunc_end0:
.L_simem_size_0:
called_computation.1_lowered:
.L_overlay_start_0:
0x88: {  	s2 =	sld [smem:$0x3FD9]  }
0x89: {  	s3 =	sld [smem:$0x3FFE];
	_ =	sdelay $0x1  }
0x8a: {  	s1 =	srdreg.scid  }
0x8b: {  	s0 =	sand.u32 $0x1, s1  }
0x8c: {  	s17 =	sshll.u32 s0, $0xA;
	s2 =	sadd.s32 s3, s2  }
0x8d: {  	s2 =	sadd.s32 s2, s17  }
0x8e: {  	[smem:$0x3FC6] =	sst s2  }
0x8f: {  	_ = 	snop  }
0x90: {  	s2 =	sld [smem:$0x3FD0];
	(tm) =	ssettm $0x1  }
0x91: {  	s18 =	sld [smem:$0x3FFB];
	_ =	sdelay $0x3  }
0x92: {  	_ =	strace s18  }
0x93: {  	s3 =	sld [smem:$0x3FFC];
	_ =	sdelay $0x3  }
0x94: {  	_ =	strace s3  }
0x95: {  	s3 =	sld [smem:$0x3FFD];
	_ =	sdelay $0x3  }
0x96: {  	_ =	strace s3  }
0x97: {  	_ =	strace $0x8FFFFFFF  }
0x98: {  	s19 =	sld [smem:$0x3FDB];
	_ =	sdelay $0x1  }
0x99: {  	s4 =	simm.s32 $_scs_section_size  }
0x9a: {  	s5 =	simm.s32 $_size__tile_overlayer_lowered;
	s6 =	simm.s32 $_tile_overlayer_lowered  }
0x9b: {  	s22 =	simm.s32 $0x1BFF;
	s21 =	sshll.u32 s6, $0x1;
	s3 =	sadd.s32 s4, s19  }
0x9c: {  	s7 =	simm.s32 $0x0;
	s20 =	sshll.u32 s5, $0x1;
	s5 =	sadd.s32 s21, s3  }
0x9d: {  	[timem:s7], [sflag:s22] =	dma.local [hbm:s5], s20  }
0x9e: {  	_ =	swait.ge [sflag:s22], s20  }
0x9f: {  	s4 =	ssub.s32 $0x0, s20;
	[sflag:s22] =	ssyncset.done $0x0  }
0xa0: {  	[sflag:s22] =	ssyncadd.s32 s4;
	_ =	sdelay $0x1  }
0xa1: {  	s23 =	simm.s32 $0x1B8B  }
0xa2: {  	_ =	swait.ge [sflag:s23], $0x1  }
0xa3: {  	[sflag:s23] =	ssyncset.done $0x0  }
0xa4: {  	s25 =	simm.s32 $0x1B8E;
	s24 =	sld [smem:$0x3FFE];
	[sflag:s23] =	ssyncadd.s32 $0xFFFFFFFF  }
0xa5: {  	s26 =	simm.s32 $execute0_lowered;
	[smem:$0x3FD2] =	sst s25  }
0xa6: {  	s5 =	sshll.u32 s26, $0x1;
	_ =	strace $0x80000046;
	[dreg:$0x1] =	wrdreg $0xFFFFFFFF  }
0xa7: {  	s28 =	simm.s32 $_size_execute0_lowered;
	s3 =	sadd.s32 s3, s5;
	[dreg:$0x0] =	wrdreg $0x0  }
0xa8: {  	s5 =	sshll.u32 s28, $0x1;
	[dreg:$0x2] =	wrdreg s3  }
0xa9: {  	[dreg:$0x3] =	wrdreg s5  }
0xaa: {  	[dreg:$0x4] =	wrdreg $0xC0  }
0xab: {  	_ =	task [dreg:s7], $0x5FFFF  }
0xac: {  	[dreg:$0x1] =	wrdreg $0xFFFFFFFF  }
0xad: {  	[dreg:$0x0] =	wrdreg $0x60  }
0xae: {  	[dreg:$0x2] =	wrdreg s24  }
0xaf: {  	[dreg:$0x3] =	wrdreg s2  }
0xb0: {  	[dreg:$0x4] =	wrdreg $0x9  }
0xb1: {  	_ =	task.clear_ibuf [dreg:s7], $0x5FFFF;
	_ =	strace $0x90000046  }
0xb2: {  	s29 =	simm.s32 $0x9;
	_ =	strace $0x80000048  }
0xb3: {  	_ =	swait.ge [sflag:s29], $0x1  }
0xb4: {  	[sflag:s29] =	ssyncadd.s32 $0xFFFFFFFF  }
0xb5: {  	_ =	strace $0x90000048  }
0xb6: {  	_ =	sfence  }
0xb7: {  	s30 =	sld [smem:$0x0];
	_ =	sdelay $0x2  }
0xb8: {  	s31 =	sshll.u32 s1, $0xD;
	s1 =	sshrl.u32 s1, $0x2  }
0xb9: {  	s3 =	sand.u32 $0x4000, s31;
	s1 =	sadd.s32 s1, s30  }
0xba: {  	s0 =	sor.u32 s3, s0;
	s1 =	sshll.u32 s1, $0x11  }
0xbb: {  	s0 =	sor.u32 s1, s0  }
0xbc: {  	s0 =	sadd.s32 $0x8F2B, s0  }
0xbd: {  	[sflag:s0] =	ssyncadd.remote.s32 $0x1  }
0xbe: {  	_ =	sfence.sel $0xFFFF  }
0xbf: {  	[dreg:$0x0] =	wrdreg $0xFFFFFFFF;
	(pc) =	sbr.abs _section_cstart, $3  }
0xc0: {  	[dreg:$0x1] =	wrdreg $0xFFFFFFFF  }
0xc1: {  	_ =	task.clear_ibuf [dreg:s7], $0x2FFFF;
	_ =	strace $0x9FFFFFFF  }
0xc2: {  	(tm) =	ssettm $0x7FFFFFFF  }
0xc3: {  	_ =	shalt  }
tec
execute0_lowered:
.L_overlay_start_1:
0x0: {  	(tag) =	ssettag $0x1  }
0x1: {  	s6 =	rddreg [dreg:$0x0]  }
0x2: {  	s2 =	rddreg [dreg:$0x1]  }
0x3: {  	s3 =	srdreg.scid;
	s0 =	stileid.u32;
	s30 =	simm.s32 $0x80  }
0x4: {  	s31 =	simm.s32 $0x48;
	s12 =	simm.s32 $0x13600;
	s13 =	simm.s32 $0x8000  }
0x5: {  	s14 =	simm.s32 $0xB200;
	s16 =	simm.s32 $0xE400;
	s15 =	simm.s32 $0x3  }
0x6: {  	s17 =	simm.s32 $0x5;
	s18 =	simm.s32 $0x6;
	s19 =	simm.s32 $0x7  }
0x7: {  	s20 =	simm.s32 $0x8;
	s21 =	simm.s32 $0x0;
	s8 =	sand.u32 $0x1, s3  }
0x8: {  	s3 =	simm.s32 $0x0;
	s4 =	sshll.u32 s0, $0x8;
	s11 =	smul.u32 $0x64000, s0  }
0x9: {  	s5 =	sshll.u32 s8, $0x7;
	[smem:$0x7FF] =	sst s3;
	s9 =	ssub.s32 $0x2, s8  }
0xa: {  	s28 =	smul.u32 $0x32000, s8;
	_ =	strace $0x80000047;
	[dreg:$0x3] =	wrdreg s30  }
0xb: {  	s4 =	sor.u32 s5, s4;
	s5 =	sadd.s32 $0xF43000, s6;
	[dreg:$0x5] =	wrdreg s31  }
0xc: {  	s10 =	sshrl.u32 s9, $0x1;
	s29 =	sadd.s32 s11, s2;
	[dreg:$0x4] =	wrdreg s12  }
0xd: {  	s11 =	simm.s32 $0x9;
	s12 =	simm.s32 $0x11600;
	[dreg:$0x6] =	wrdreg s13  }
0xe: {  	s13 =	simm.s32 $0x1;
	[dreg:$0x7] =	wrdreg s14;
	s14 =	simm.s32 $0x2  }
0xf: {  	[dreg:$0x8] =	wrdreg s16;
	s16 =	simm.s32 $0x4;
	s7 =	sshll.u32 s4, $0x5  }
0x10: {  	s9 =	ssub.s32 s9, s10;
	s7 =	sadd.s32 s7, s6;
	s6 =	sadd.s32 $0x20C00, s6  }
0x11: {  	s8 =	smax.u32 s9, $0x1;
	s9 =	sadd.s32 s28, s29;
	s7 =	sadd.s32 $0xC00, s7  }
.LBB2_1:
0x12: {  	s0 =	simm.s32 $0x14800  }
0x13: {  	[tilespmem:s0], [sflag:$0x9] =	stream.linear.gather [hbm4b:s6+s3], $0x3200, $0x38;
	[tilespmem:$0x17A00] =	vst v63  }
0x14: {  	_ =	swait.ge [sflag:s11], $0x3200  }
0x15: {  	[sflag:s11] =	ssyncset.done $0x0  }
0x16: {  	[sflag:s11] =	ssyncadd.s32 $0xFFFFCE00  }
0x17: {  	[tilespmem:s3], [sflag:$0x9] =	stream.linear.gather [hbm4b:s7+s3], $0x8000, $0x38;
	[tilespmem:$0x17A00] =	vst v63  }
0x18: {  	_ =	swait.ge [sflag:s11], $0x8000  }
0x19: {  	p0 =	por $0x0, $0x0;
	[sflag:s11] =	ssyncset.done $0x0  }
0x1a: {  	s22 =	simm.s32 @p0 $0x5;
	[sflag:s11] =	ssyncadd.s32 $0xFFFF8000  }
0x1b: {  	_ =	swait.ge @p0 [sflag:s22], $0x3200  }
0x1c: {  	s23 =	simm.s32 @p0 $0x6;
	s24 =	simm.s32 @p0 $0x8000;
	[sflag:s22] =	ssyncset.done @p0 $0x0  }
0x1d: {  	s25 =	simm.s32 @p0 $0x80;
	[sflag:s22] =	ssyncadd.s32 @p0 $0xFFFFCE00;
	s22 =	simm.s32 @p0 $0x0  }
0x1e: {  	[tilespmem:s24], [sflag:$0x1] =	stream.indirect.gather @p0 [hbm4b:s5+s25], $0x40, s22, s25, $0xb8;
	[tilespmem:$0x17A00] =	vst v63  }
0x1f: {  	s26 =	simm.s32 @p0 $0x48;
	s22 =	simm.s32 @p0 $0xA000;
	s24 =	simm.s32 @p0 $0x80  }
0x20: {  	[tilespmem:s22], [sflag:$0x1] =	stream.indirect.gather @p0 [hbm4b:s5+s26], $0x40, s24, s26, $0xb8;
	[tilespmem:$0x17A00] =	vst v63  }
0x21: {  	_ =	swait.ge @p0 [sflag:s23], $0x3200  }
0x22: {  	[sflag:s23] =	ssyncset.done @p0 $0x0  }
0x23: {  	s22 =	simm.s32 @p0 $0x100;
	[sflag:s23] =	ssyncadd.s32 @p0 $0xFFFFCE00;
	s23 =	simm.s32 @p0 $0xB200  }
0x24: {  	[tilespmem:s23], [sflag:$0x2] =	stream.indirect.gather @p0 [hbm4b:s5+s25], $0x40, s22, s25, $0xb8;
	[tilespmem:$0x17A00] =	vst v63  }
0x25: {  	s24 =	simm.s32 @p0 $0x7;
	s22 =	simm.s32 @p0 $0x180;
	s23 =	simm.s32 @p0 $0xD200  }
0x26: {  	[tilespmem:s23], [sflag:$0x2] =	stream.indirect.gather @p0 [hbm4b:s5+s26], $0x40, s22, s26, $0xb8;
	[tilespmem:$0x17A00] =	vst v63  }
0x27: {  	_ =	swait.ge @p0 [sflag:s24], $0x3200  }
0x28: {  	[sflag:s24] =	ssyncset.done @p0 $0x0  }
0x29: {  	s22 =	simm.s32 @p0 $0x200;
	s23 =	simm.s32 @p0 $0xE400;
	[sflag:s24] =	ssyncadd.s32 @p0 $0xFFFFCE00  }
0x2a: {  	[tilespmem:s23], [sflag:$0x3] =	stream.indirect.gather @p0 [hbm4b:s5+s25], $0x40, s22, s25, $0xb8;
	[tilespmem:$0x17A00] =	vst v63  }
0x2b: {  	s24 =	simm.s32 @p0 $0x8;
	s22 =	simm.s32 @p0 $0x280;
	s23 =	simm.s32 @p0 $0x10400  }
0x2c: {  	[tilespmem:s23], [sflag:$0x3] =	stream.indirect.gather @p0 [hbm4b:s5+s26], $0x40, s22, s26, $0xb8;
	[tilespmem:$0x17A00] =	vst v63  }
0x2d: {  	_ =	swait.ge @p0 [sflag:s24], $0x3200  }
0x2e: {  	s22 =	simm.s32 @!p0 $0x8000;
	[sflag:s24] =	ssyncset.done @p0 $0x0  }
0x2f: {  	s23 =	simm.s32 @!p0 $0x80;
	[sflag:s24] =	ssyncadd.s32 @p0 $0xFFFFCE00;
	s24 =	simm.s32 @!p0 $0x0  }
0x30: {  	[tilespmem:s22], [sflag:$0x1] =	stream.indirect.gather @!p0 [hbm4b:s5+s23], $0x40, s24, s23, $0xb8;
	[tilespmem:$0x17A00] =	vst v63  }
0x31: {  	s22 =	simm.s32 @!p0 $0x48;
	s24 =	simm.s32 @!p0 $0xA000  }
0x32: {  	[tilespmem:s24], [sflag:$0x1] =	stream.indirect.gather @!p0 [hbm4b:s5+s22], $0x40, s23, s22, $0xb8;
	[tilespmem:$0x17A00] =	vst v63  }
0x33: {  	s25 =	simm.s32 @!p0 $0xB200;
	s26 =	simm.s32 $0x3;
	s24 =	simm.s32 @!p0 $0x100  }
0x34: {  	[tilespmem:s25], [sflag:$0x2] =	stream.indirect.gather @!p0 [hbm4b:s5+s23], $0x40, s24, s23, $0xb8;
	[tilespmem:$0x17A00] =	vst v63  }
0x35: {  	s28 =	simm.s32 @!p0 $0xD200;
	s26 =	simm.s32 @!p0 $0x3;
	s25 =	simm.s32 @!p0 $0x180  }
0x36: {  	[tilespmem:s28], [sflag:$0x2] =	stream.indirect.gather @!p0 [hbm4b:s5+s22], $0x40, s25, s22, $0xb8;
	[tilespmem:$0x17A00] =	vst v63  }
0x37: {  	s1 =	sshll.u32 s26, $0x8;
	s24 =	simm.s32 @!p0 $0xE400;
	s25 =	simm.s32 @!p0 $0x200  }
0x38: {  	[tilespmem:s24], [sflag:$0x3] =	stream.indirect.gather @!p0 [hbm4b:s5+s23], $0x40, s25, s23, $0xb8;
	[tilespmem:$0x17A00] =	vst v63  }
0x39: {  	s29 =	rddreg [dreg:$0x5];
	s23 =	simm.s32 @!p0 $0x280;
	s24 =	simm.s32 @!p0 $0x10400  }
0x3a: {  	[tilespmem:s24], [sflag:$0x3] =	stream.indirect.gather @!p0 [hbm4b:s5+s22], $0x40, s23, s22, $0xb8;
	[tilespmem:$0x17A00] =	vst v63  }
0x3b: {  	s10 =	rddreg [dreg:$0x3];
	s23 =	sand.u32 $0x3FFFFF00, s1  }
0x3c: {  	[tilespmem:s12], [sflag:$0x4] =	stream.indirect.gather [hbm4b:s5+s10], $0x40, s23, s10, $0xb8;
	[tilespmem:$0x17A00] =	vst v63  }
0x3d: {  	s24 =	rddreg [dreg:$0x4];
	s22 =	sor.u32 $0x80, s23  }
0x3e: {  	[tilespmem:s24], [sflag:$0x4] =	stream.indirect.gather [hbm4b:s5+s29], $0x40, s22, s29, $0xb8;
	[tilespmem:$0x17A00] =	vst v63  }
0x3f: {  	_ =	swait.ge [sflag:s13], $0x2000  }
0x40: {  	[sflag:s13] =	ssyncset.done $0x0  }
0x41: {  	[sflag:s13] =	ssyncadd.s32 $0xFFFFE000  }
0x42: {  	_ =	swait.ge [sflag:s13], $0x1200  }
0x43: {  	[sflag:s13] =	ssyncset.done $0x0  }
0x44: {  	s28 =	rddreg [dreg:$0x6];
	[sflag:s13] =	ssyncadd.s32 $0xFFFFEE00  }
0x45: {  	[hbm4b:s9+s3] =	stream.linear.scatter [tilespmem:s28], [sflag:$0x5], $0x3200, $0x38;
	[tilespmem:$0x17A00] =	vst v63  }
0x46: {  	s22 =	simm.s32 @p0 $0x1;
	_ =	swait.ge [sflag:s14], $0x2000  }
0x47: {  	s22 =	simm.s32 @!p0 $0x1;
	[sflag:s14] =	ssyncset.done $0x0  }
0x48: {  	s22 =	sadd.s32 s4, s22;
	[sflag:s14] =	ssyncadd.s32 $0xFFFFE000  }
0x49: {  	s22 =	smul.u32 $0x640, s22;
	_ =	swait.ge [sflag:s14], $0x1200  }
0x4a: {  	[sflag:s14] =	ssyncset.done $0x0  }
0x4b: {  	s22 =	sadd.s32 s2, s22;
	s29 =	rddreg [dreg:$0x7];
	[sflag:s14] =	ssyncadd.s32 $0xFFFFEE00  }
0x4c: {  	[hbm4b:s22+s3] =	stream.linear.scatter [tilespmem:s29], [sflag:$0x6], $0x3200, $0x38;
	[tilespmem:$0x17A00] =	vst v63  }
0x4d: {  	s22 =	simm.s32 @p0 $0x2;
	_ =	swait.ge [sflag:s15], $0x2000  }
0x4e: {  	s22 =	simm.s32 @!p0 $0x2;
	[sflag:s15] =	ssyncset.done $0x0  }
0x4f: {  	s22 =	sadd.s32 s4, s22;
	[sflag:s15] =	ssyncadd.s32 $0xFFFFE000  }
0x50: {  	s22 =	smul.u32 $0x640, s22;
	_ =	swait.ge [sflag:s15], $0x1200  }
0x51: {  	s31 =	sadd.s32 s4, s26;
	[sflag:s15] =	ssyncset.done $0x0  }
0x52: {  	s30 =	rddreg [dreg:$0x8];
	s22 =	sadd.s32 s2, s22;
	[sflag:s15] =	ssyncadd.s32 $0xFFFFEE00  }
0x53: {  	[hbm4b:s22+s3] =	stream.linear.scatter [tilespmem:s30], [sflag:$0x7], $0x3200, $0x38;
	[tilespmem:$0x17A00] =	vst v63  }
0x54: {  	s26 =	smul.u32 $0x640, s31;
	_ =	swait.ge [sflag:s16], $0x2000  }
0x55: {  	[sflag:s16] =	ssyncset.done $0x0  }
0x56: {  	s26 =	sadd.s32 s2, s26;
	s25 =	simm.s32 $0x1000;
	[sflag:s16] =	ssyncadd.s32 $0xFFFFE000  }
0x57: {  	s23 =	sadd.s32 $0x1900, s9;
	s24 =	simm.s32 $0x2000;
	_ =	swait.ge [sflag:s16], $0x1200  }
0x58: {  	p0 =	por $0x1, $0x1;
	s22 =	simm.s32 $0x7;
	[sflag:s16] =	ssyncset.done $0x0  }
.LBB2_2:
0x59: {  	s28 =	simm.s32 @p0 $0x5;
	[sflag:s16] =	ssyncadd.s32 $0xFFFFEE00  }
0x5a: {  	[hbm4b:s26+s3] =	stream.linear.scatter [tilespmem:s12], [sflag:$0x8], $0x3200, $0x38;
	[tilespmem:$0x17A00] =	vst v63  }
0x5b: {  	_ =	swait.ge @p0 [sflag:s28], $0x3200  }
0x5c: {  	s30 =	simm.s32 @p0 $0x8000;
	s31 =	simm.s32 @p0 $0xA000;
	[sflag:s28] =	ssyncset.done @p0 $0x0  }
0x5d: {  	s25 =	sshra.s32 @p0 s25, $0x2;
	[sflag:s28] =	ssyncadd.s32 @p0 $0xFFFFCE00;
	s28 =	simm.s32 @p0 $0x80  }
0x5e: {  	[tilespmem:s30], [sflag:$0x1] =	stream.indirect.gather @p0 [hbm4b:s5+s28], $0x40, s25, s28, $0xb8;
	[tilespmem:$0x17A00] =	vst v63  }
0x5f: {  	s0 =	simm.s32 @p0 $0x48;
	s26 =	simm.s32 @p0 $0x6;
	s30 =	sadd.s32 @p0 $0x80, s25  }
0x60: {  	[tilespmem:s31], [sflag:$0x1] =	stream.indirect.gather @p0 [hbm4b:s5+s0], $0x40, s30, s0, $0xb8;
	[tilespmem:$0x17A00] =	vst v63  }
0x61: {  	_ =	swait.ge @p0 [sflag:s26], $0x3200  }
0x62: {  	[sflag:s26] =	ssyncset.done @p0 $0x0  }
0x63: {  	s1 =	sadd.s32 @p0 $0x100, s25;
	[sflag:s26] =	ssyncadd.s32 @p0 $0xFFFFCE00;
	s26 =	simm.s32 @p0 $0xB200  }
0x64: {  	[tilespmem:s26], [sflag:$0x2] =	stream.indirect.gather @p0 [hbm4b:s5+s28], $0x40, s1, s28, $0xb8;
	[tilespmem:$0x17A00] =	vst v63  }
0x65: {  	s30 =	sadd.s32 @p0 $0x180, s25;
	s1 =	simm.s32 @p0 $0xD200;
	s26 =	simm.s32 @p0 $0x7  }
0x66: {  	[tilespmem:s1], [sflag:$0x2] =	stream.indirect.gather @p0 [hbm4b:s5+s0], $0x40, s30, s0, $0xb8;
	[tilespmem:$0x17A00] =	vst v63  }
0x67: {  	_ =	swait.ge @p0 [sflag:s26], $0x3200  }
0x68: {  	[sflag:s26] =	ssyncset.done @p0 $0x0  }
0x69: {  	s31 =	sadd.s32 @p0 $0x200, s25;
	s1 =	simm.s32 @p0 $0xE400;
	[sflag:s26] =	ssyncadd.s32 @p0 $0xFFFFCE00  }
0x6a: {  	[tilespmem:s1], [sflag:$0x3] =	stream.indirect.gather @p0 [hbm4b:s5+s28], $0x40, s31, s28, $0xb8;
	[tilespmem:$0x17A00] =	vst v63  }
0x6b: {  	s10 =	sadd.s32 @p0 $0x280, s25;
	s26 =	simm.s32 @p0 $0x8;
	s1 =	simm.s32 @p0 $0x10400  }
0x6c: {  	[tilespmem:s1], [sflag:$0x3] =	stream.indirect.gather @p0 [hbm4b:s5+s0], $0x40, s10, s0, $0xb8;
	[tilespmem:$0x17A00] =	vst v63  }
0x6d: {  	_ =	swait.ge @p0 [sflag:s26], $0x3200  }
0x6e: {  	s29 =	smov.u32 s24;
	s0 =	simm.s32 @!p0 $0x8000;
	[sflag:s26] =	ssyncset.done @p0 $0x0  }
0x6f: {  	s1 =	simm.s32 @!p0 $0x80;
	s10 =	simm.s32 @!p0 $0x0;
	[sflag:s26] =	ssyncadd.s32 @p0 $0xFFFFCE00  }
0x70: {  	[tilespmem:s0], [sflag:$0x1] =	stream.indirect.gather @!p0 [hbm4b:s5+s1], $0x40, s10, s1, $0xb8;
	[tilespmem:$0x17A00] =	vst v63  }
0x71: {  	s25 =	smov.u32 s29;
	s0 =	simm.s32 @!p0 $0x48;
	s10 =	simm.s32 @!p0 $0xA000  }
0x72: {  	[tilespmem:s10], [sflag:$0x1] =	stream.indirect.gather @!p0 [hbm4b:s5+s0], $0x40, s1, s0, $0xb8;
	[tilespmem:$0x17A00] =	vst v63  }
0x73: {  	s29 =	smov.u32 s22;
	s26 =	simm.s32 @!p0 $0xB200;
	s10 =	simm.s32 @!p0 $0x100  }
0x74: {  	[tilespmem:s26], [sflag:$0x2] =	stream.indirect.gather @!p0 [hbm4b:s5+s1], $0x40, s10, s1, $0xb8;
	[tilespmem:$0x17A00] =	vst v63  }
0x75: {  	s29 =	simm.s32 @!p0 $0x3;
	s10 =	simm.s32 @!p0 $0x180;
	s26 =	simm.s32 @!p0 $0xD200  }
0x76: {  	[tilespmem:s26], [sflag:$0x2] =	stream.indirect.gather @!p0 [hbm4b:s5+s0], $0x40, s10, s0, $0xb8;
	[tilespmem:$0x17A00] =	vst v63  }
0x77: {  	s28 =	simm.s32 @!p0 $0xE400;
	s31 =	sshll.u32 s29, $0x8;
	s10 =	simm.s32 @!p0 $0x200  }
0x78: {  	[tilespmem:s28], [sflag:$0x3] =	stream.indirect.gather @!p0 [hbm4b:s5+s1], $0x40, s10, s1, $0xb8;
	[tilespmem:$0x17A00] =	vst v63  }
0x79: {  	s30 =	rddreg [dreg:$0x5];
	s1 =	simm.s32 @!p0 $0x280;
	s10 =	simm.s32 @!p0 $0x10400  }
0x7a: {  	[tilespmem:s10], [sflag:$0x3] =	stream.indirect.gather @!p0 [hbm4b:s5+s0], $0x40, s1, s0, $0xb8;
	[tilespmem:$0x17A00] =	vst v63  }
0x7b: {  	s28 =	rddreg [dreg:$0x3];
	s10 =	sand.u32 $0x3FFFFF00, s31  }
0x7c: {  	[tilespmem:s12], [sflag:$0x4] =	stream.indirect.gather [hbm4b:s5+s28], $0x40, s10, s28, $0xb8;
	[tilespmem:$0x17A00] =	vst v63  }
0x7d: {  	s31 =	rddreg [dreg:$0x4];
	s0 =	sor.u32 $0x80, s10  }
0x7e: {  	[tilespmem:s31], [sflag:$0x4] =	stream.indirect.gather [hbm4b:s5+s30], $0x40, s0, s30, $0xb8;
	[tilespmem:$0x17A00] =	vst v63  }
0x7f: {  	_ =	swait.ge [sflag:s13], $0x2000  }
0x80: {  	[sflag:s13] =	ssyncset.done $0x0  }
0x81: {  	[sflag:s13] =	ssyncadd.s32 $0xFFFFE000  }
0x82: {  	_ =	swait.ge [sflag:s13], $0x1200  }
0x83: {  	[sflag:s13] =	ssyncset.done $0x0  }
0x84: {  	s26 =	sadd.s32 s4, s29;
	s29 =	rddreg [dreg:$0x6];
	[sflag:s13] =	ssyncadd.s32 $0xFFFFEE00  }
0x85: {  	[hbm4b:s23+s3] =	stream.linear.scatter [tilespmem:s29], [sflag:$0x5], $0x3200, $0x38;
	[tilespmem:$0x17A00] =	vst v63  }
0x86: {  	s0 =	sadd.s32 @p0 $0xFFFFFFFE, s22;
	_ =	swait.ge [sflag:s14], $0x2000  }
0x87: {  	s0 =	simm.s32 @!p0 $0x1;
	[sflag:s14] =	ssyncset.done $0x0  }
0x88: {  	s0 =	sadd.s32 s4, s0;
	[sflag:s14] =	ssyncadd.s32 $0xFFFFE000  }
0x89: {  	s0 =	smul.u32 $0x640, s0;
	_ =	swait.ge [sflag:s14], $0x1200  }
0x8a: {  	[sflag:s14] =	ssyncset.done $0x0  }
0x8b: {  	s0 =	sadd.s32 s2, s0;
	s30 =	rddreg [dreg:$0x7];
	[sflag:s14] =	ssyncadd.s32 $0xFFFFEE00  }
0x8c: {  	[hbm4b:s0+s3] =	stream.linear.scatter [tilespmem:s30], [sflag:$0x6], $0x3200, $0x38;
	[tilespmem:$0x17A00] =	vst v63  }
0x8d: {  	s0 =	sadd.s32 @p0 $0xFFFFFFFF, s22;
	_ =	swait.ge [sflag:s15], $0x2000  }
0x8e: {  	s0 =	simm.s32 @!p0 $0x2;
	[sflag:s15] =	ssyncset.done $0x0  }
0x8f: {  	s0 =	sadd.s32 s4, s0;
	[sflag:s15] =	ssyncadd.s32 $0xFFFFE000  }
0x90: {  	s24 =	sadd.s32 $0x1000, s24;
	s0 =	smul.u32 $0x640, s0;
	_ =	swait.ge [sflag:s15], $0x1200  }
0x91: {  	p1 =	sne.s32 s24, $0x20000;
	[sflag:s15] =	ssyncset.done $0x0  }
0x92: {  	s31 =	rddreg [dreg:$0x8];
	s0 =	sadd.s32 s2, s0;
	[sflag:s15] =	ssyncadd.s32 $0xFFFFEE00  }
0x93: {  	[hbm4b:s0+s3] =	stream.linear.scatter [tilespmem:s31], [sflag:$0x7], $0x3200, $0x38;
	[tilespmem:$0x17A00] =	vst v63  }
.Ltmp0:
0x94: {  	_ =	swait.ge [sflag:s16], $0x2000;
	(pc) =	sbr.rel @p1 .LBB2_2-.Ltmp0, $4  }
0x95: {  	s28 =	smul.u32 $0x640, s26;
	[sflag:s16] =	ssyncset.done $0x0  }
0x96: {  	[sflag:s16] =	ssyncadd.s32 $0xFFFFE000  }
0x97: {  	s26 =	sadd.s32 s2, s28;
	s23 =	sadd.s32 $0x1900, s23;
	_ =	swait.ge [sflag:s16], $0x1200  }
0x98: {  	s22 =	sadd.s32 $0x4, s22;
	p0 =	sne.s32 s25, $0x0;
	[sflag:s16] =	ssyncset.done $0x0  }
0x99: {  	s0 =	simm.s32 @p0 $0x5;
	[sflag:s16] =	ssyncadd.s32 $0xFFFFEE00  }
0x9a: {  	[hbm4b:s26+s3] =	stream.linear.scatter [tilespmem:s12], [sflag:$0x8], $0x3200, $0x38;
	[tilespmem:$0x17A00] =	vst v63  }
0x9b: {  	_ =	swait.ge @p0 [sflag:s0], $0x3200  }
0x9c: {  	s1 =	simm.s32 @p0 $0x6;
	s10 =	simm.s32 @p0 $0x8000;
	[sflag:s0] =	ssyncset.done @p0 $0x0  }
0x9d: {  	s24 =	simm.s32 @p0 $0x80;
	[sflag:s0] =	ssyncadd.s32 @p0 $0xFFFFCE00;
	s0 =	sshra.s32 @p0 s25, $0x2  }
0x9e: {  	[tilespmem:s10], [sflag:$0x1] =	stream.indirect.gather @p0 [hbm4b:s5+s24], $0x40, s0, s24, $0xb8;
	[tilespmem:$0x17A00] =	vst v63  }
0x9f: {  	s26 =	simm.s32 @p0 $0x48;
	s10 =	simm.s32 @p0 $0xA000;
	s25 =	sadd.s32 @p0 $0x80, s0  }
0xa0: {  	[tilespmem:s10], [sflag:$0x1] =	stream.indirect.gather @p0 [hbm4b:s5+s26], $0x40, s25, s26, $0xb8;
	[tilespmem:$0x17A00] =	vst v63  }
0xa1: {  	_ =	swait.ge @p0 [sflag:s1], $0x3200  }
0xa2: {  	[sflag:s1] =	ssyncset.done @p0 $0x0  }
0xa3: {  	s10 =	sadd.s32 @p0 $0x100, s0;
	[sflag:s1] =	ssyncadd.s32 @p0 $0xFFFFCE00;
	s1 =	simm.s32 @p0 $0xB200  }
0xa4: {  	[tilespmem:s1], [sflag:$0x2] =	stream.indirect.gather @p0 [hbm4b:s5+s24], $0x40, s10, s24, $0xb8;
	[tilespmem:$0x17A00] =	vst v63  }
0xa5: {  	s25 =	simm.s32 @p0 $0x7;
	s1 =	sadd.s32 @p0 $0x180, s0;
	s10 =	simm.s32 @p0 $0xD200  }
0xa6: {  	[tilespmem:s10], [sflag:$0x2] =	stream.indirect.gather @p0 [hbm4b:s5+s26], $0x40, s1, s26, $0xb8;
	[tilespmem:$0x17A00] =	vst v63  }
0xa7: {  	_ =	swait.ge @p0 [sflag:s25], $0x3200  }
0xa8: {  	[sflag:s25] =	ssyncset.done @p0 $0x0  }
0xa9: {  	s1 =	sadd.s32 @p0 $0x200, s0;
	s10 =	simm.s32 @p0 $0xE400;
	[sflag:s25] =	ssyncadd.s32 @p0 $0xFFFFCE00  }
0xaa: {  	[tilespmem:s10], [sflag:$0x3] =	stream.indirect.gather @p0 [hbm4b:s5+s24], $0x40, s1, s24, $0xb8;
	[tilespmem:$0x17A00] =	vst v63  }
0xab: {  	s0 =	sadd.s32 @p0 $0x280, s0;
	s1 =	simm.s32 @p0 $0x10400;
	s10 =	simm.s32 @p0 $0x8  }
0xac: {  	[tilespmem:s1], [sflag:$0x3] =	stream.indirect.gather @p0 [hbm4b:s5+s26], $0x40, s0, s26, $0xb8;
	[tilespmem:$0x17A00] =	vst v63  }
0xad: {  	_ =	swait.ge @p0 [sflag:s10], $0x3200  }
0xae: {  	s0 =	simm.s32 @!p0 $0x8000;
	[sflag:s10] =	ssyncset.done @p0 $0x0  }
0xaf: {  	s1 =	simm.s32 @!p0 $0x80;
	[sflag:s10] =	ssyncadd.s32 @p0 $0xFFFFCE00;
	s10 =	simm.s32 @!p0 $0x0  }
0xb0: {  	[tilespmem:s0], [sflag:$0x1] =	stream.indirect.gather @!p0 [hbm4b:s5+s1], $0x40, s10, s1, $0xb8;
	[tilespmem:$0x17A00] =	vst v63  }
0xb1: {  	s0 =	simm.s32 @!p0 $0x48;
	s10 =	simm.s32 @!p0 $0xA000  }
0xb2: {  	[tilespmem:s10], [sflag:$0x1] =	stream.indirect.gather @!p0 [hbm4b:s5+s0], $0x40, s1, s0, $0xb8;
	[tilespmem:$0x17A00] =	vst v63  }
0xb3: {  	s25 =	simm.s32 @!p0 $0xE400;
	s24 =	simm.s32 @!p0 $0xB200;
	s10 =	simm.s32 @!p0 $0x100  }
0xb4: {  	[tilespmem:s24], [sflag:$0x2] =	stream.indirect.gather @!p0 [hbm4b:s5+s1], $0x40, s10, s1, $0xb8;
	[tilespmem:$0x17A00] =	vst v63  }
0xb5: {  	s26 =	simm.s32 @!p0 $0xD200;
	s10 =	smov.u32 s22;
	s24 =	simm.s32 @!p0 $0x180  }
0xb6: {  	[tilespmem:s26], [sflag:$0x2] =	stream.indirect.gather @!p0 [hbm4b:s5+s0], $0x40, s24, s0, $0xb8;
	[tilespmem:$0x17A00] =	vst v63  }
0xb7: {  	s28 =	rddreg [dreg:$0x5];
	s10 =	simm.s32 @!p0 $0x3;
	s24 =	simm.s32 @!p0 $0x200  }
0xb8: {  	[tilespmem:s25], [sflag:$0x3] =	stream.indirect.gather @!p0 [hbm4b:s5+s1], $0x40, s24, s1, $0xb8;
	[tilespmem:$0x17A00] =	vst v63  }
0xb9: {  	s30 =	sshll.u32 s10, $0x8;
	s1 =	simm.s32 @!p0 $0x280;
	s24 =	simm.s32 @!p0 $0x10400  }
0xba: {  	[tilespmem:s24], [sflag:$0x3] =	stream.indirect.gather @!p0 [hbm4b:s5+s0], $0x40, s1, s0, $0xb8;
	[tilespmem:$0x17A00] =	vst v63  }
0xbb: {  	s31 =	rddreg [dreg:$0x3];
	s24 =	sand.u32 $0x3FFFFF00, s30  }
0xbc: {  	[tilespmem:s12], [sflag:$0x4] =	stream.indirect.gather [hbm4b:s5+s31], $0x40, s24, s31, $0xb8;
	[tilespmem:$0x17A00] =	vst v63  }
0xbd: {  	s26 =	rddreg [dreg:$0x4];
	s0 =	sor.u32 $0x80, s24  }
0xbe: {  	[tilespmem:s26], [sflag:$0x4] =	stream.indirect.gather [hbm4b:s5+s28], $0x40, s0, s28, $0xb8;
	[tilespmem:$0x17A00] =	vst v63  }
0xbf: {  	_ =	swait.ge [sflag:s13], $0x2000  }
0xc0: {  	[sflag:s13] =	ssyncset.done $0x0  }
0xc1: {  	[sflag:s13] =	ssyncadd.s32 $0xFFFFE000  }
0xc2: {  	_ =	swait.ge [sflag:s13], $0x1200  }
0xc3: {  	[sflag:s13] =	ssyncset.done $0x0  }
0xc4: {  	s28 =	rddreg [dreg:$0x6];
	[sflag:s13] =	ssyncadd.s32 $0xFFFFEE00  }
0xc5: {  	[hbm4b:s23+s3] =	stream.linear.scatter [tilespmem:s28], [sflag:$0x5], $0x3200, $0x38;
	[tilespmem:$0x17A00] =	vst v63  }
0xc6: {  	s0 =	sadd.s32 @p0 $0xFFFFFFFE, s22;
	_ =	swait.ge [sflag:s14], $0x2000  }
0xc7: {  	s0 =	simm.s32 @!p0 $0x1;
	[sflag:s14] =	ssyncset.done $0x0  }
0xc8: {  	s0 =	sadd.s32 s4, s0;
	[sflag:s14] =	ssyncadd.s32 $0xFFFFE000  }
0xc9: {  	s0 =	smul.u32 $0x640, s0;
	_ =	swait.ge [sflag:s14], $0x1200  }
0xca: {  	[sflag:s14] =	ssyncset.done $0x0  }
0xcb: {  	s0 =	sadd.s32 s2, s0;
	s29 =	rddreg [dreg:$0x7];
	[sflag:s14] =	ssyncadd.s32 $0xFFFFEE00  }
0xcc: {  	[hbm4b:s0+s3] =	stream.linear.scatter [tilespmem:s29], [sflag:$0x6], $0x3200, $0x38;
	[tilespmem:$0x17A00] =	vst v63  }
0xcd: {  	s0 =	sadd.s32 @p0 $0xFFFFFFFF, s22;
	_ =	swait.ge [sflag:s15], $0x2000  }
0xce: {  	s0 =	simm.s32 @!p0 $0x2;
	[sflag:s15] =	ssyncset.done $0x0  }
0xcf: {  	s0 =	sadd.s32 s4, s0;
	[sflag:s15] =	ssyncadd.s32 $0xFFFFE000  }
0xd0: {  	s0 =	smul.u32 $0x640, s0;
	_ =	swait.ge [sflag:s15], $0x1200  }
0xd1: {  	[sflag:s15] =	ssyncset.done $0x0  }
0xd2: {  	s30 =	rddreg [dreg:$0x8];
	s0 =	sadd.s32 s2, s0;
	[sflag:s15] =	ssyncadd.s32 $0xFFFFEE00  }
0xd3: {  	[hbm4b:s0+s3] =	stream.linear.scatter [tilespmem:s30], [sflag:$0x7], $0x3200, $0x38;
	[tilespmem:$0x17A00] =	vst v63  }
0xd4: {  	_ =	swait.ge [sflag:s16], $0x2000  }
0xd5: {  	[sflag:s16] =	ssyncset.done $0x0  }
0xd6: {  	s31 =	sadd.s32 s4, s10;
	[sflag:s16] =	ssyncadd.s32 $0xFFFFE000  }
0xd7: {  	s0 =	smul.u32 $0x640, s31;
	_ =	swait.ge [sflag:s16], $0x1200  }
0xd8: {  	[sflag:s16] =	ssyncset.done $0x0  }
0xd9: {  	s0 =	sadd.s32 s2, s0;
	[sflag:s16] =	ssyncadd.s32 $0xFFFFEE00  }
0xda: {  	[hbm4b:s0+s3] =	stream.linear.scatter [tilespmem:s12], [sflag:$0x8], $0x3200, $0x38;
	[tilespmem:$0x17A00] =	vst v63  }
0xdb: {  	_ =	swait.ge [sflag:s17], $0x3200  }
0xdc: {  	[sflag:s17] =	ssyncset.done $0x0  }
0xdd: {  	[sflag:s17] =	ssyncadd.s32 $0xFFFFCE00  }
0xde: {  	_ =	swait.ge [sflag:s18], $0x3200  }
0xdf: {  	[sflag:s18] =	ssyncset.done $0x0  }
0xe0: {  	s21 =	sadd.s32 $0x1, s21;
	[sflag:s18] =	ssyncadd.s32 $0xFFFFCE00  }
0xe1: {  	p0 =	sne.s32 s21, s8;
	_ =	swait.ge [sflag:s19], $0x3200  }
.Ltmp1:
0xe2: {  	[sflag:s19] =	ssyncset.done $0x0;
	(pc) =	sbr.rel @p0 .LBB2_1-.Ltmp1, $4  }
0xe3: {  	[sflag:s19] =	ssyncadd.s32 $0xFFFFCE00  }
0xe4: {  	_ =	swait.ge [sflag:s20], $0x3200  }
0xe5: {  	[sflag:s20] =	ssyncset.done $0x0  }
0xe6: {  	[sflag:s20] =	ssyncadd.s32 $0xFFFFCE00  }
0xe7: {  	_ =	sfence.sel $0x180000  }
0xe8: {  	[bflag:$0x0] =	sbarrier.arrive $0xFFFF  }
0xe9: {  	_ =	strace $0x90000047  }
0xea: {  	s0 =	stileid.u32;
	[bflag:$0x2] =	sbarrier.arrive $0xFFFF  }
0xeb: {  	p0 =	sne.s32 s0, $0x0;
	s0 =	rddreg [dreg:$0x2]  }
0xec: {  	s0 =	sadd.s32 @!p0 $0x100000, s0  }
0xed: {  	[sflag:s0] =	ssyncadd.tile.s32 @!p0 $0x1;
	_ =	shalt  }
.Lfunc_end2:
_tile_overlayer_lowered:
.L_overlay_start_2:
0xee: {  	(tag) =	ssettag $0x2  }
0xef: {  	s0 =	rddreg [dreg:$0x0];
	s2 =	stileid.u32  }
0xf0: {  	s1 =	rddreg [dreg:$0x1];
	p0 =	sne.s32 s2, $0x0  }
0xf1: {  	s3 =	rddreg [dreg:$0x2];
	[bflag:$0x3] =	sbarrier.arrive $0xFFFF;
	s2 =	simm.s32 @!p0 $0x1C09  }
0xf2: {  	[timem:s3], [sflag:s2] =	dma.local @!p0 [hbm:s0], s1  }
0xf3: {  	s0 =	simm.s32 @!p0 $0x9  }
0xf4: {  	_ =	swait.ge @!p0 [sflag:s0], s1  }
0xf5: {  	s1 =	ssub.s32 @!p0 $0x0, s1;
	[sflag:s0] =	ssyncset.done @!p0 $0x0  }
0xf6: {  	[sflag:s0] =	ssyncadd.s32 @!p0 s1  }
0xf7: {  	[bflag:$0x3] =	sbarrier.arrive $0xFFFF  }
0xf8: {  	_ =	shalt  }

// kernel: sparse-core-data-format-call.cloned.1.call-start
scs
called_computation_lowered:
.L_overlay_start_0:
0x0: {  	s2 =	sld [smem:$0x3FD9]  }
0x1: {  	s3 =	sld [smem:$0x3FFE];
	_ =	sdelay $0x1  }
0x2: {  	s1 =	srdreg.scid  }
0x3: {  	s0 =	sand.u32 $0x1, s1  }
0x4: {  	s18 =	sshll.u32 s0, $0xA;
	s2 =	sadd.s32 s3, s2  }
0x5: {  	s2 =	sadd.s32 s2, s18  }
0x6: {  	[smem:$0x3FC6] =	sst s2  }
0x7: {  	_ = 	snop  }
0x8: {  	s2 =	sld [smem:$0x3FD0];
	(tm) =	ssettm $0x1  }
0x9: {  	s19 =	sld [smem:$0x3FFB];
	_ =	sdelay $0x3  }
0xa: {  	_ =	strace s19  }
0xb: {  	s3 =	sld [smem:$0x3FFC];
	_ =	sdelay $0x3  }
0xc: {  	_ =	strace s3  }
0xd: {  	s3 =	sld [smem:$0x3FFD];
	_ =	sdelay $0x3  }
0xe: {  	_ =	strace s3  }
0xf: {  	_ =	strace $0x8FFFFFFF  }
0x10: {  	s20 =	sld [smem:$0x3FDB];
	_ =	sdelay $0x1  }
0x11: {  	s4 =	simm.s32 $_scs_section_size  }
0x12: {  	s5 =	simm.s32 $_size__tile_overlayer_lowered;
	s6 =	simm.s32 $_tile_overlayer_lowered  }
0x13: {  	s23 =	simm.s32 $0x1BFF;
	s22 =	sshll.u32 s6, $0x1;
	s3 =	sadd.s32 s4, s20  }
0x14: {  	s7 =	simm.s32 $0x0;
	s21 =	sshll.u32 s5, $0x1;
	s5 =	sadd.s32 s22, s3  }
0x15: {  	[timem:s7], [sflag:s23] =	dma.local [hbm:s5], s21  }
0x16: {  	_ =	swait.ge [sflag:s23], s21  }
0x17: {  	s4 =	ssub.s32 $0x0, s21;
	[sflag:s23] =	ssyncset.done $0x0  }
0x18: {  	[sflag:s23] =	ssyncadd.s32 s4;
	_ =	sdelay $0x1  }
0x19: {  	s24 =	simm.s32 $0x1B8B  }
0x1a: {  	_ =	swait.ge [sflag:s24], $0x1  }
0x1b: {  	[sflag:s24] =	ssyncset.done $0x0  }
0x1c: {  	s26 =	simm.s32 $0x1B8E;
	s25 =	sld [smem:$0x3FFE];
	[sflag:s24] =	ssyncadd.s32 $0xFFFFFFFF  }
0x1d: {  	s27 =	simm.s32 $execute0_lowered;
	[smem:$0x3FD2] =	sst s26  }
0x1e: {  	s5 =	sshll.u32 s27, $0x1;
	_ =	strace $0x80000049;
	[dreg:$0x1] =	wrdreg $0xFFFFFFFF  }
0x1f: {  	s28 =	simm.s32 $_size_execute0_lowered;
	s3 =	sadd.s32 s3, s5;
	[dreg:$0x0] =	wrdreg $0x0  }
0x20: {  	s5 =	sshll.u32 s28, $0x1;
	[dreg:$0x2] =	wrdreg s3  }
0x21: {  	[dreg:$0x3] =	wrdreg s5  }
0x22: {  	[dreg:$0x4] =	wrdreg $0xC0  }
0x23: {  	_ =	task [dreg:s7], $0x5FFFF  }
0x24: {  	[dreg:$0x1] =	wrdreg $0xFFFFFFFF  }
0x25: {  	[dreg:$0x0] =	wrdreg $0x60  }
0x26: {  	[dreg:$0x2] =	wrdreg s25  }
0x27: {  	[dreg:$0x3] =	wrdreg s2  }
0x28: {  	[dreg:$0x4] =	wrdreg $0x9  }
0x29: {  	_ =	task.clear_ibuf [dreg:s7], $0x5FFFF;
	_ =	strace $0x90000049  }
0x2a: {  	s29 =	simm.s32 $0x9;
	_ =	strace $0x8000004B  }
0x2b: {  	_ =	swait.ge [sflag:s29], $0x1  }
0x2c: {  	[sflag:s29] =	ssyncadd.s32 $0xFFFFFFFF  }
0x2d: {  	_ =	strace $0x9000004B  }
0x2e: {  	_ =	sfence  }
0x2f: {  	s30 =	sld [smem:$0x0];
	_ =	sdelay $0x2  }
0x30: {  	s31 =	sshll.u32 s1, $0xD;
	s1 =	sshrl.u32 s1, $0x2  }
0x31: {  	s3 =	sand.u32 $0x4000, s31;
	s1 =	sadd.s32 s1, s30  }
0x32: {  	s0 =	sor.u32 s3, s0;
	s1 =	sshll.u32 s1, $0x11  }
0x33: {  	s0 =	sor.u32 s1, s0  }
0x34: {  	s0 =	sadd.s32 $0x8F2B, s0  }
0x35: {  	[sflag:s0] =	ssyncadd.remote.s32 $0x1  }
0x36: {  	_ =	sfence.sel $0xFFFF  }
0x37: {  	[dreg:$0x0] =	wrdreg $0xFFFFFFFF;
	(pc) =	sbr.abs _section_cstart, $3  }
0x38: {  	[dreg:$0x1] =	wrdreg $0xFFFFFFFF  }
0x39: {  	_ =	task.clear_ibuf [dreg:s7], $0x2FFFF;
	_ =	strace $0x9FFFFFFF  }
0x3a: {  	(tm) =	ssettm $0x7FFFFFFF  }
0x3b: {  	_ =	shalt  }
tec
execute0_lowered:
.L_overlay_start_1:
0x0: {  	(tag) =	ssettag $0x1  }
0x1: {  	s0 =	srdreg.scid  }
0x2: {  	s1 =	sshll.u32 s0, $0x4  }
0x3: {  	s0 =	stileid.u32;
	s1 =	sand.u32 $0x10, s1  }
0x4: {  	s1 =	sor.u32 s0, s1  }
0x5: {  	s6 =	rddreg [dreg:$0x0];
	s4 =	simm.s32 $0x1;
	s2 =	sshll.u32 s1, $0x7  }
0x6: {  	s7 =	simm.s32 $0x2;
	s12 =	simm.s32 $0x0;
	s1 =	ssub.s32 $0x1000, s2  }
0x7: {  	s8 =	simm.s32 $0x8000;
	s13 =	simm.s32 $0x0;
	s3 =	sand.u32 $0xF80, s1  }
0x8: {  	s9 =	simm.s32 $0x0;
	s5 =	sshrl.u32 s1, $0xC;
	p0 =	sne.s32 s3, $0x0  }
.Ltmp0:
0x9: {  	s1 =	rddreg [dreg:$0x2];
	s4 =	simm.s32 @!p0 $0x0;
	(pc) =	sbr.rel .LBB1_1-.Ltmp0, $4  }
0xa: {  	s11 =	simm.s32 $0x0;
	s3 =	rddreg [dreg:$0x1];
	s5 =	sadd.s32 s4, s5  }
0xb: {  	_ =	strace $0x8000004A;
	s4 =	simm.s32 $0x1;
	s5 =	smul.u32 $0xC8, s5  }
0xc: {  	s6 =	sadd.s32 $0xC00, s6;
	s10 =	smov.u32 s2;
	[sflag:s4] =	ssyncpa.u1 $0x0  }
0xd: {  	p0 =	por $0x0, $0x0;
	[sflag:s7] =	ssyncpa.u1 $0x0;
	s7 =	sor.u32 $0x1, s5  }
.LBB1_4:
0xe: {  	s16 =	sshll.u32 s13, $0x3;
	s17 =	sand.u32 $0x78, s13  }
0xf: {  	s30 =	sand.u32 $0x7E00, s13;
	s12 =	sshll.u32 s12, $0xF;
	s16 =	sand.u32 $0xC00, s16  }
0x10: {  	[tilespmem:s15+$0x810 ss:$0x81] =	vst.msk $0xffff, v2;
	s31 =	sand.u32 $0x7, s13;
	s16 =	sor.u32 s17, s16;
	s17 =	sadd.s32 s3, s30  }
0x11: {  	[tilespmem:s15+$0x1020 ss:$0x81] =	vst.msk $0xffff, v0;
	s13 =	sshll.u32 s31, $0x12;
	s12 =	sadd.s32 s12, s17;
	s16 =	sshrl.u32 s16, $0x3  }
0x12: {  	[tilespmem:s15+$0x0 ss:$0x81] =	vst.msk $0xffff, v1;
	s13 =	sor.u32 $0x400, s13;
	s12 =	sadd.s32 s16, s12  }
0x13: {  	[hbm4b:s12+s13] =	stream.strided.scatter [tilespmem:s14], [sflag:$0x2], $0x2000, s8, s13, $0x20;
	[tilespmem:$0x8080] =	vst v63  }
.LBB1_5:
0x14: {  	s14 =	sadd.s32 $0x1, s9  }
0x15: {  	s12 =	sadd.s32 $0x1000, s10;
	s16 =	smov.u32 s10;
	p2 =	sgt.s32 s14, $0xC7  }
0x16: {  	s16 =	smov.u32 @p2 s12  }
0x17: {  	s14 =	simm.s32 @p2 $0x0;
	p2 =	sgt.s32 s16, $0xFFF  }
0x18: {  	s16 =	smov.u32 @p2 s2;
	p2 =	sne.s32 s11, s7  }
.Ltmp1:
0x19: {  	p1 =	slt.u32 s11, $0x2;
	(pc) =	sbr.rel @!p2 .LBB1_6-.Ltmp1, $4  }
0x1a: {  	s15 =	simm.s32 @!p1 $0x2  }
0x1b: {  	s13 =	smov.u32 s10;
	p0 =	por !p0, !p0;
	_ =	swait.ge @!p1 [sflag:s15], $0x2000  }
0x1c: {  	s12 =	smov.u32 s9;
	[sflag:s15] =	ssyncset.done @!p1 $0x0;
	s9 =	smov.u32 s14  }
0x1d: {  	s11 =	sadd.s32 $0x1, s11;
	[sflag:s15] =	ssyncadd.s32 @!p1 $0xFFFFE000;
	s10 =	smov.u32 s16  }
.LBB1_1:
0x1e: {  	p1 =	sge.u32 s11, s5  }
0x1f: {  	s14 =	sand.u32 @!p1 $0x1FFFFFF, s9  }
0x20: {  	s15 =	smulhi.u32 @!p1 $0x147AE15, s14;
	_ =	sdelay $0x1  }
0x21: {  	s15 =	smul.u32 @!p1 $0xC8, s15  }
0x22: {  	s16 =	sxor.u32 @!p1 $0xFFFFFFFF, s11;
	s17 =	smul.u32 @!p1 $0xC80, s10  }
0x23: {  	s31 =	sadd.s32 $0xFFFFFFFF, s11;
	s16 =	sshll.u32 @!p1 s16, $0xD;
	s14 =	ssub.s32 @!p1 s14, s15  }
0x24: {  	s15 =	sand.u32 @!p1 $0x2000, s16;
	s16 =	sadd.s32 @!p1 s6, s17;
	s14 =	sshll.u32 @!p1 s14, $0x4  }
0x25: {  	s17 =	simm.s32 @!p1 $0x6400;
	s14 =	sadd.s32 @!p1 s14, s16;
	s16 =	simm.s32 @!p1 $0x40  }
0x26: {  	[tilespmem:s15], [sflag:$0x1] =	stream.strided.gather @!p1 [hbm4b:s14+s16], $0x2000, s17, s16, $0x38;
	[tilespmem:$0x8080] =	vst v63  }
0x27: {  	p1 =	sge.u32 s31, s5  }
.Ltmp2:
0x28: {  	_ = 	snop;
	(pc) =	sbr.rel @p1 .LBB1_5-.Ltmp2, $1  }
0x29: {  	_ =	sdelay $0x3  }
0x2a: {  	s14 =	simm.s32 $0x1  }
0x2b: {  	_ =	swait.ge [sflag:s4], $0x2000;
	s14 =	simm.s32 @!p0 $0x0  }
0x2c: {  	[sflag:s4] =	ssyncset.done $0x0;
	s15 =	sshll.u32 s14, $0xD  }
0x2d: {  	[sflag:s4] =	ssyncadd.s32 $0xFFFFE000;
	s18 =	sor.u32 $0x20, s15  }
0x2e: {  	s14 =	smul.u32 $0x8100, s14;
	v3 =	vld [tilespmem:s18+$0x10]  }
0x2f: {  	s30 =	sand.u32 $0x1, s11;
	v2 =	vld [tilespmem:s18+$0xFFFFFFF0]  }
0x30: {  	s15 =	smul.u32 $0x8100, s30;
	s14 =	sshrl.u32 s14, $0x2;
	v0 =	vld [tilespmem:s18+$0x0]  }
0x31: {  	v1 =	vld [tilespmem:s18+$0xFFFFFFE0];
	s16 =	sor.u32 $0x4000, s14  }
0x32: {  	s31 =	sshrl.u32 s15, $0x2;
	s15 =	sadd.s32 $0x0, s16  }
0x33: {  	s17 =	simm.s32 $0x4;
	s18 =	sadd.s32 $0x40, s18;
	s14 =	sor.u32 $0x4000, s31;
	[tilespmem:s15+$0x1830 ss:$0x81] =	vst.msk $0xffff, v3  }
.LBB1_3:
0x34: {  	v3 =	vld [tilespmem:s18+$0x10];
	p1 =	sne.s32 s17, $0x1FC;
	[tilespmem:s15+$0x810 ss:$0x81] =	vst.msk $0xffff, v2;
	s19 =	smov.u32 s17;
	s17 =	sadd.s32 $0x4, s17  }
.Ltmp3:
0x35: {  	v2 =	vld [tilespmem:s18+$0xFFFFFFF0];
	[tilespmem:s15+$0x1020 ss:$0x81] =	vst.msk $0xffff, v0;
	(pc) =	sbr.rel @p1 .LBB1_3-.Ltmp3, $4  }
0x36: {  	v0 =	vld [tilespmem:s18+$0x0];
	[tilespmem:s15+$0x0 ss:$0x81] =	vst.msk $0xffff, v1  }
0x37: {  	s15 =	sshra.s32 s19, $0x2;
	v1 =	vld [tilespmem:s18+$0xFFFFFFE0]  }
0x38: {  	s15 =	sadd.s32 s15, s16  }
0x39: {  	s18 =	sadd.s32 $0x40, s18;
	[tilespmem:s15+$0x1830 ss:$0x81] =	vst.msk $0xffff, v3  }
.Ltmp4:
0x3a: {  	_ = 	snop;
	(pc) =	sbr.rel .LBB1_4-.Ltmp4, $1  }
0x3b: {  	_ =	sdelay $0x3  }
.LBB1_6:
0x3c: {  	_ =	sfence.sel $0x180000  }
0x3d: {  	s2 =	simm.s32 $0x1;
	[bflag:$0x0] =	sbarrier.arrive $0xFFFF  }
0x3e: {  	s31 =	simm.s32 $0x2;
	[sflag:s2] =	ssyncpa.u1 $0x1  }
0x3f: {  	[sflag:s31] =	ssyncpa.u1 $0x1  }
0x40: {  	p0 =	sne.s32 s0, $0x0;
	_ =	strace $0x9000004A  }
0x41: {  	s0 =	sadd.s32 @!p0 $0x100000, s1;
	[bflag:$0x2] =	sbarrier.arrive $0xFFFF  }
0x42: {  	[sflag:s0] =	ssyncadd.tile.s32 @!p0 $0x1;
	_ =	shalt  }
.Lfunc_end1:
_tile_overlayer_lowered:
.L_overlay_start_2:
0x43: {  	(tag) =	ssettag $0x2  }
0x44: {  	s0 =	rddreg [dreg:$0x0];
	s2 =	stileid.u32  }
0x45: {  	s1 =	rddreg [dreg:$0x1];
	p0 =	sne.s32 s2, $0x0  }
0x46: {  	s3 =	rddreg [dreg:$0x2];
	[bflag:$0x3] =	sbarrier.arrive $0xFFFF;
	s2 =	simm.s32 @!p0 $0x1C01  }
0x47: {  	[timem:s3], [sflag:s2] =	dma.local @!p0 [hbm:s0], s1  }
0x48: {  	s0 =	simm.s32 @!p0 $0x1  }
0x49: {  	_ =	swait.ge @!p0 [sflag:s0], s1  }
0x4a: {  	s1 =	ssub.s32 @!p0 $0x0, s1;
	[sflag:s0] =	ssyncset.done @!p0 $0x0  }
0x4b: {  	[sflag:s0] =	ssyncadd.s32 @!p0 s1  }
0x4c: {  	[bflag:$0x3] =	sbarrier.arrive $0xFFFF  }
0x4d: {  	_ =	shalt  }

</sc_bundles>
